<compile_context>
chip_gen: v7x
topology: tpu7x:2x2x1
jax: 0.10.2.dev20260603
libtpu: 0.0.44.dev20260713+nightly
codegen_flags: <defaults>
</compile_context>

<pallas_src>
import functools

import jax
import jax.numpy as jnp
from jax import lax
from jax.experimental import pallas as pl
from jax.experimental.pallas import tpu as pltpu
from jax.experimental.pallas import tpu_sc as plsc

NBR = 128
ANG = 64
E = 160000
A = 320000
NC = 256
INV_SQRT_2 = 1.0 / 2.0 ** 0.5

BLK = 2560
GRID = A // BLK

SC_CORES = 2
SC_SUBCORES = 16
NW = SC_CORES * SC_SUBCORES
PER_W = A // NW
CHUNK = 80
N_CHUNKS = PER_W // CHUNK


def _sc_gather_add(p0, p1, idx0, idx1):
    mesh = plsc.VectorSubcoreMesh(
        core_axis_name="c", subcore_axis_name="s",
        num_cores=SC_CORES, num_subcores=SC_SUBCORES)

    @functools.partial(
        pl.kernel,
        out_type=jax.ShapeDtypeStruct((A, NBR), jnp.float32),
        mesh=mesh,
        scratch_types=[
            pltpu.VMEM((3, CHUNK), jnp.int32),
            pltpu.VMEM((3, CHUNK), jnp.int32),
            pltpu.VMEM((3, CHUNK, NBR), jnp.float32),
            pltpu.SemaphoreType.DMA((3,)),
            pltpu.SemaphoreType.DMA((3,)),
            pltpu.SemaphoreType.DMA((3,)),
        ],
    )
    def gather_kernel(p0_hbm, p1_hbm, i0_hbm, i1_hbm, out_hbm,
                      i0_v, i1_v, rows_v, sem_i, sem_g, sem_o):
        wid = lax.axis_index("s") * SC_CORES + lax.axis_index("c")
        base = wid * PER_W

        def off_of(j):
            return pl.multiple_of(base + j * CHUNK, 8)

        def issue_idx(j, k):
            off = off_of(j)
            pltpu.async_copy(i0_hbm.at[pl.ds(off, CHUNK)], i0_v.at[k],
                             sem_i.at[k])
            pltpu.async_copy(i1_hbm.at[pl.ds(off, CHUNK)], i1_v.at[k],
                             sem_i.at[k])

        def wait_idx(j, k):
            off = off_of(j)
            pltpu.make_async_copy(i0_hbm.at[pl.ds(off, CHUNK)], i0_v.at[k],
                                  sem_i.at[k]).wait()
            pltpu.make_async_copy(i1_hbm.at[pl.ds(off, CHUNK)], i1_v.at[k],
                                  sem_i.at[k]).wait()

        def wait_out(j, k):
            off = off_of(j)
            pltpu.make_async_copy(rows_v.at[k], out_hbm.at[pl.ds(off, CHUNK)],
                                  sem_o.at[k]).wait()

        issue_idx(0, 0)

        def body(j, carry):
            k = lax.rem(j, 3)

            @pl.when(j < N_CHUNKS)
            def _gather():
                @pl.when(j >= 3)
                def _slot_free():
                    wait_out(j - 3, k)
                wait_idx(j, k)
                pltpu.async_copy(p0_hbm.at[i0_v.at[k]], rows_v.at[k],
                                 sem_g.at[k])

            @pl.when(j + 1 < N_CHUNKS)
            def _prefetch_idx():
                issue_idx(j + 1, lax.rem(j + 1, 3))

            @pl.when(jnp.logical_and(j >= 1, j - 1 < N_CHUNKS))
            def _add():
                k1 = lax.rem(j - 1, 3)
                pltpu.make_async_copy(p0_hbm.at[i0_v.at[k1]], rows_v.at[k1],
                                      sem_g.at[k1]).wait()
                pltpu.async_copy(p1_hbm.at[i1_v.at[k1]], rows_v.at[k1],
                                 sem_g.at[k1], add=True)

            @pl.when(jnp.logical_and(j >= 2, j - 2 < N_CHUNKS))
            def _writeback():
                k2 = lax.rem(j - 2, 3)
                pltpu.make_async_copy(p1_hbm.at[i1_v.at[k2]], rows_v.at[k2],
                                      sem_g.at[k2]).wait()
                pltpu.async_copy(rows_v.at[k2], out_hbm.at[
                    pl.ds(off_of(j - 2), CHUNK)], sem_o.at[k2])

            return carry

        lax.fori_loop(0, N_CHUNKS + 2, body, 0)
        for jj in range(N_CHUNKS - 3, N_CHUNKS):
            wait_out(jj, jj % 3)

    return gather_kernel(p0, p1, idx0, idx1)


BLKE = 640
GRID_E = E // BLKE


def _pre_body(edge_ref, w0_ref, w1_ref, p0_ref, p1_ref):
    e = edge_ref[...]
    p0_ref[...] = _dot(e, w0_ref[...])
    p1_ref[...] = _dot(e, w1_ref[...])


def _onehot_t(idx, dt=jnp.float32):
    return (lax.broadcasted_iota(jnp.int32, (NC, BLK), 0)
            == idx[None, :]).astype(dt)


def _onehot(idx, dt=jnp.float32):
    return (lax.broadcasted_iota(jnp.int32, (BLK, NC), 1)
            == idx[:, None]).astype(dt)


def _dot(a, b):
    return jnp.dot(a, b, preferred_element_type=jnp.float32)


def _dot_t(a, b, ca, cb):
    return lax.dot_general(a, b, (((ca,), (cb,)), ((), ())),
                           preferred_element_type=jnp.float32)


def _p1_body(anglet_ref, g_ref, wa_ref, idx_ref, stats_ref):
    g = g_ref[...] + _dot_t(anglet_ref[...], wa_ref[...], 0, 0)
    idx = idx_ref[0, 0, :]
    oh_t = _onehot_t(idx)

    @pl.when(pl.program_id(0) == 0)
    def _init():
        stats_ref[...] = jnp.zeros_like(stats_ref)

    stats_ref[:, :2 * ANG] += _dot(oh_t, g)
    stats_ref[:, 2 * ANG:] += _dot(oh_t, g * g)


def _p2_body(anglet_ref, g_ref, wa_ref, idx_ref, ab1_ref,
             wm_ref, eye_ref, sumedt_ref, stats2_ref):
    g = g_ref[...] + _dot_t(anglet_ref[...], wa_ref[...], 0, 0)
    idx = idx_ref[0, 0, :]
    oh = _onehot(idx)
    gath = _dot(oh, ab1_ref[...])
    xn = g * gath[:, :2 * ANG] + gath[:, 2 * ANG:]
    core = jnp.maximum(xn[:, :ANG], 0.0)
    filt = xn[:, ANG:]
    t = jnp.tanh(_dot(filt, wm_ref[...]))
    sumed = t * core
    sumedt_ref[...] = _dot_t(eye_ref[...], sumed, 1, 1)
    oh_t = _onehot_t(idx)

    @pl.when(pl.program_id(0) == 0)
    def _init():
        stats2_ref[...] = jnp.zeros_like(stats2_ref)

    stats2_ref[:, :ANG] += _dot(oh_t, sumed)
    stats2_ref[:, ANG:] += _dot(oh_t, sumed * sumed)


def _p3_body(sumedt_ref, anglet_ref, idx_ref, ab2_ref,
             w10_ref, b10_ref, w20_ref, b20_ref,
             w11_ref, b11_ref, w21_ref, b21_ref, outt_ref):
    idx = idx_ref[0, 0, :]
    oh_t = _onehot_t(idx)
    gath = _dot_t(ab2_ref[...], oh_t, 0, 0)
    x = sumedt_ref[...] * gath[:ANG, :] + gath[ANG:, :]
    for w1, b1, w2, b2 in ((w10_ref, b10_ref, w20_ref, b20_ref),
                           (w11_ref, b11_ref, w21_ref, b21_ref)):
        h = jnp.maximum(_dot_t(w1[...], x, 0, 0) + b1[...], 0.0)
        h = jnp.maximum(_dot_t(w2[...], h, 0, 0) + b2[...], 0.0)
        x = x + h
    outt_ref[...] = INV_SQRT_2 * jnp.maximum(anglet_ref[...] + x, 0.0)


def _finalize(stats, cnt, gamma, beta, width):
    s1, s2 = stats[:, :width], stats[:, width:]
    mean = s1 / cnt[:, None]
    var = jnp.maximum(s2 / cnt[:, None] - mean * mean, 0.0)
    a = gamma[None, :] * lax.rsqrt(var + 1e-5)
    b = beta[None, :] - a * mean
    return jnp.concatenate([a, b], axis=1)


def kernel(edge, angle, angle_nbr_idx, crystal_angle_idx, W_full, W_mask,
           gamma1, beta1, gamma2, beta2,
           res_W1_0, res_b1_0, res_W2_0, res_b2_0,
           res_W1_1, res_b1_1, res_W2_1, res_b2_1):
    f32 = jnp.float32

    wa = W_full[:ANG, :]
    w0 = W_full[ANG:ANG + NBR, :]
    w1 = W_full[ANG + NBR:, :]
    p0, p1 = pl.pallas_call(
        _pre_body,
        grid=(GRID_E,),
        in_specs=[pl.BlockSpec((BLKE, NBR), lambda i: (i, 0)),
                  pl.BlockSpec((NBR, 2 * ANG), lambda i: (0, 0)),
                  pl.BlockSpec((NBR, 2 * ANG), lambda i: (0, 0))],
        out_specs=[pl.BlockSpec((BLKE, 2 * ANG), lambda i: (i, 0)),
                   pl.BlockSpec((BLKE, 2 * ANG), lambda i: (i, 0))],
        out_shape=[jax.ShapeDtypeStruct((E, 2 * ANG), f32),
                   jax.ShapeDtypeStruct((E, 2 * ANG), f32)],
    )(edge, w0, w1)

    idx0 = angle_nbr_idx[:, 0]
    idx1 = angle_nbr_idx[:, 1]
    g_sum = _sc_gather_add(p0, p1, idx0, idx1)

    idx3 = crystal_angle_idx.reshape(GRID, 1, BLK)

    angle_t = angle.T

    bounds = jnp.searchsorted(crystal_angle_idx,
                              jnp.arange(NC + 1, dtype=jnp.int32), side="left")
    cnt = jnp.maximum((bounds[1:] - bounds[:-1]).astype(f32), 1.0)

    row_spec = lambda w: pl.BlockSpec((BLK, w), lambda i: (i, 0))
    col_spec = lambda r: pl.BlockSpec((r, BLK), lambda i: (0, i))
    full_spec = lambda r, c: pl.BlockSpec((r, c), lambda i: (0, 0))
    idx_spec = pl.BlockSpec((1, 1, BLK), lambda i: (i, 0, 0))

    stats1 = pl.pallas_call(
        _p1_body,
        grid=(GRID,),
        in_specs=[col_spec(ANG), row_spec(2 * ANG),
                  full_spec(ANG, 2 * ANG), idx_spec],
        out_specs=full_spec(NC, 4 * ANG),
        out_shape=jax.ShapeDtypeStruct((NC, 4 * ANG), f32),
    )(angle_t, g_sum, wa, idx3)

    ab1 = _finalize(stats1, cnt, gamma1, beta1, 2 * ANG)
    wm = jnp.tile(W_mask, (1, ANG))

    eye = jnp.eye(ANG, dtype=f32)
    sumed_t, stats2 = pl.pallas_call(
        _p2_body,
        grid=(GRID,),
        in_specs=[col_spec(ANG), row_spec(2 * ANG),
                  full_spec(ANG, 2 * ANG), idx_spec,
                  full_spec(NC, 4 * ANG),
                  full_spec(ANG, ANG), full_spec(ANG, ANG)],
        out_specs=[col_spec(ANG), full_spec(NC, 2 * ANG)],
        out_shape=[jax.ShapeDtypeStruct((ANG, A), f32),
                   jax.ShapeDtypeStruct((NC, 2 * ANG), f32)],
    )(angle_t, g_sum, wa, idx3, ab1, wm, eye)

    ab2 = _finalize(stats2, cnt, gamma2, beta2, ANG)

    mid = ANG // 2
    w10 = jnp.zeros((ANG, 2 * ANG), f32).at[:, :mid].set(res_W1_0)
    b10 = jnp.zeros((2 * ANG, 1), f32).at[:mid, 0].set(res_b1_0)
    w20 = jnp.zeros((2 * ANG, ANG), f32).at[:mid, :].set(res_W2_0)
    b20 = res_b2_0.reshape(ANG, 1)
    w11 = jnp.zeros((ANG, 2 * ANG), f32).at[:, :mid].set(res_W1_1)
    b11 = jnp.zeros((2 * ANG, 1), f32).at[:mid, 0].set(res_b1_1)
    w21 = jnp.zeros((2 * ANG, ANG), f32).at[:mid, :].set(res_W2_1)
    b21 = res_b2_1.reshape(ANG, 1)

    out_t = pl.pallas_call(
        _p3_body,
        grid=(GRID,),
        in_specs=[col_spec(ANG), col_spec(ANG), idx_spec,
                  full_spec(NC, 2 * ANG),
                  full_spec(ANG, 2 * ANG), full_spec(2 * ANG, 1),
                  full_spec(2 * ANG, ANG), full_spec(ANG, 1),
                  full_spec(ANG, 2 * ANG), full_spec(2 * ANG, 1),
                  full_spec(2 * ANG, ANG), full_spec(ANG, 1)],
        out_specs=col_spec(ANG),
        out_shape=jax.ShapeDtypeStruct((ANG, A), f32),
    )(sumed_t, angle_t, idx3, ab2, w10, b10, w20, b20, w11, b11, w21, b21)

    return out_t.T

# --- scband reference (transcript-rebuilt; emitter-appended) ---
"""Pipeline reference for scband-modi-cgcnn-angle-46248207843562 (READ-ONLY COPY).

The authoritative reference and input builder live on the scoring server;
editing this copy changes nothing except your own understanding.
"""

import jax, jax.numpy as jnp
import numpy as np

NBR = 128
ANG = 64
E = 160000
A = 320000
NC = 256
INV_SQRT_2 = 1.0 / 2.0 ** 0.5


def setup_inputs(seed: int = 0) -> dict:
    key = jax.random.key(seed)
    ks = jax.random.split(key, 16)
    inp = {}
    inp["edge"] = jax.random.normal(ks[0], (E, NBR), dtype=jnp.float32)
    inp["angle"] = jax.random.normal(ks[1], (A, ANG), dtype=jnp.float32)
    inp["angle_nbr_idx"] = jax.random.randint(ks[2], (A, 2), 0, E, dtype=jnp.int32)
    inp["crystal_angle_idx"] = jnp.sort(jax.random.randint(ks[3], (A,), 0, NC, dtype=jnp.int32))
    # fc_full_edge: Dense(2*NBR+ANG -> 2*ANG, no bias, no activation)
    inp["W_full"] = jax.random.normal(ks[4], (2 * NBR + ANG, 2 * ANG), dtype=jnp.float32) * (1.0 / np.sqrt(2 * NBR + ANG))
    # mask_nn: Dense(ANG -> 1, tanh, no bias)
    inp["W_mask"] = jax.random.normal(ks[5], (ANG, 1), dtype=jnp.float32) * (1.0 / np.sqrt(ANG))
    # Crystal_Norm affine params
    inp["gamma1"] = jnp.ones((2 * ANG,), dtype=jnp.float32)
    inp["beta1"] = jnp.zeros((2 * ANG,), dtype=jnp.float32)
    inp["gamma2"] = jnp.ones((ANG,), dtype=jnp.float32)
    inp["beta2"] = jnp.zeros((ANG,), dtype=jnp.float32)
    # ResidualLayers: 2 layers, each x + relu(relu(x W1 + b1) W2 + b2), n_mid = ANG//2
    mid = ANG // 2
    inp["res_W1_0"] = jax.random.normal(ks[6], (ANG, mid), dtype=jnp.float32) * (1.0 / np.sqrt(ANG))
    inp["res_b1_0"] = jnp.zeros((mid,), dtype=jnp.float32)
    inp["res_W2_0"] = jax.random.normal(ks[7], (mid, ANG), dtype=jnp.float32) * (1.0 / np.sqrt(mid))
    inp["res_b2_0"] = jnp.zeros((ANG,), dtype=jnp.float32)
    inp["res_W1_1"] = jax.random.normal(ks[8], (ANG, mid), dtype=jnp.float32) * (1.0 / np.sqrt(ANG))
    inp["res_b1_1"] = jnp.zeros((mid,), dtype=jnp.float32)
    inp["res_W2_1"] = jax.random.normal(ks[9], (mid, ANG), dtype=jnp.float32) * (1.0 / np.sqrt(mid))
    inp["res_b2_1"] = jnp.zeros((ANG,), dtype=jnp.float32)
    return inp


def _crystal_norm(x, idx, gamma, beta):
    ones_ = jnp.ones((x.shape[0],), dtype=x.dtype)
    cnt = jax.ops.segment_sum(ones_, idx, num_segments=NC)
    cnt = jnp.maximum(cnt, 1.0)
    mean = jax.ops.segment_sum(x, idx, num_segments=NC) / cnt[:, None]
    diff = x - mean[idx]
    var = jax.ops.segment_sum(diff * diff, idx, num_segments=NC) / cnt[:, None]
    xn = diff / jnp.sqrt(var[idx] + 1e-5)
    return gamma * xn + beta


def reference(edge, angle, angle_nbr_idx, crystal_angle_idx, W_full, W_mask,
              gamma1, beta1, gamma2, beta2,
              res_W1_0, res_b1_0, res_W2_0, res_b2_0,
              res_W1_1, res_b1_1, res_W2_1, res_b2_1):
    # gather two neighbor edge features per angle
    angle_nbr_fea = jnp.take(edge, angle_nbr_idx, axis=0).reshape(-1, 2 * NBR)
    total_angle_fea = jnp.concatenate([angle, angle_nbr_fea], axis=1)
    total_gated = total_angle_fea @ W_full
    total_gated = _crystal_norm(total_gated, crystal_angle_idx, gamma1, beta1)
    angle_core, angle_filter = jnp.split(total_gated, 2, axis=1)
    angle_core = jax.nn.relu(angle_core)
    angle_filter = jnp.tanh(angle_filter @ W_mask)
    angle_sumed = angle_filter * angle_core
    angle_sumed = _crystal_norm(angle_sumed, crystal_angle_idx, gamma2, beta2)
    x = angle_sumed
    for (W1, b1, W2, b2) in ((res_W1_0, res_b1_0, res_W2_0, res_b2_0),
                             (res_W1_1, res_b1_1, res_W2_1, res_b2_1)):
        h = jax.nn.relu(x @ W1 + b1)
        h = jax.nn.relu(h @ W2 + b2)
        x = x + h
    out = INV_SQRT_2 * jax.nn.relu(angle + x)
    return out

if __name__ == "__main__":
    import jax
    _d = setup_inputs()
    print(jax.jit(kernel)(*tuple(_d.values())))

</pallas_src>

<mosaic_0001>
#map = affine_map<(d0, d1) -> (0, 0)>
#map1 = affine_map<(d0, d1) -> (0)>
module attributes {stable_mosaic.version = 14 : i64} {
  func.func @gather_kernel(%arg0: i32, %arg1: i32, %arg2: memref<160000x128xf32, #tpu.memory_space<hbm>>, %arg3: memref<160000x128xf32, #tpu.memory_space<hbm>>, %arg4: memref<320000xi32, #tpu.memory_space<hbm>>, %arg5: memref<320000xi32, #tpu.memory_space<hbm>>, %arg6: memref<320000x128xf32, #tpu.memory_space<hbm>>, %arg7: memref<3x80xi32, #tpu.memory_space<vmem>>, %arg8: memref<3x80xi32, #tpu.memory_space<vmem>>, %arg9: memref<3x80x128xf32, #tpu.memory_space<vmem>>, %arg10: memref<3x!tpu.dma_semaphore, #tpu.memory_space<semaphore_mem>>, %arg11: memref<3x!tpu.dma_semaphore, #tpu.memory_space<semaphore_mem>>, %arg12: memref<3x!tpu.dma_semaphore, #tpu.memory_space<semaphore_mem>>) attributes {dimension_semantics = [#tpu.dimension_semantics<core_parallel>, #tpu.dimension_semantics<subcore_parallel>], iteration_bounds = array<i64: 2, 16>, scalar_prefetch = 0 : i64, scratch_operands = 6 : i64, tpu.core_type = #tpu.core_type<sc_vector_subcore>, window_params = [{transform_indices = #map}, {transform_indices = #map}, {transform_indices = #map1}, {transform_indices = #map1}, {transform_indices = #map}]} {
    %mul3A = arith.constant 2 : i32
    %mul3A_0 = arith.muli %arg1, %mul3A : i32
    %add3A = arith.addi %mul3A_0, %arg0 : i32
    %mul3A_1 = arith.constant 10000 : i32
    %mul3A_2 = arith.muli %add3A, %mul3A_1 : i32
    %add3A_3 = arith.constant 0 : i32
    %add3A_4 = arith.addi %mul3A_2, %add3A_3 : i32
    %multiple_of3A = tpu.assume_multiple %add3A_4, 8 : i32
    %dma_start3A = arith.constant 0 : i32
    %dma_start3A_5 = arith.constant 0 : i32
    %dma_start3A_6 = arith.constant 0 : i32
    %dma_start3A_7 = tpu.memref_slice %arg7[%dma_start3A, %dma_start3A_6] : memref<3x80xi32, #tpu.memory_space<vmem>> -> memref<1x80xi32, #tpu.memory_space<vmem>>
    %dma_start3A_8 = tpu.memref_squeeze %dma_start3A_7 : memref<1x80xi32, #tpu.memory_space<vmem>> -> memref<80xi32, #tpu.memory_space<vmem>>
    %dma_start3A_9 = tpu.memref_slice %arg4[%multiple_of3A] : memref<320000xi32, #tpu.memory_space<hbm>> -> memref<80xi32, #tpu.memory_space<hbm>>
    %dma_start3A_10 = tpu.memref_slice %arg10[%dma_start3A_5] : memref<3x!tpu.dma_semaphore, #tpu.memory_space<semaphore_mem>> -> memref<1x!tpu.dma_semaphore, #tpu.memory_space<semaphore_mem>>
    %dma_start3A_11 = tpu.memref_squeeze %dma_start3A_10 : memref<1x!tpu.dma_semaphore, #tpu.memory_space<semaphore_mem>> -> memref<!tpu.dma_semaphore, #tpu.memory_space<semaphore_mem>>
    %dma_start3A_12 = arith.constant 0 : i32
    %dma_start3A_13 = tpu.memref_slice %arg7[%dma_start3A, %dma_start3A_12] : memref<3x80xi32, #tpu.memory_space<vmem>> -> memref<1x80xi32, #tpu.memory_space<vmem>>
    %dma_start3A_14 = tpu.memref_squeeze %dma_start3A_13 : memref<1x80xi32, #tpu.memory_space<vmem>> -> memref<80xi32, #tpu.memory_space<vmem>>
    %dma_start3A_15 = tpu.memref_slice %arg4[%multiple_of3A] : memref<320000xi32, #tpu.memory_space<hbm>> -> memref<80xi32, #tpu.memory_space<hbm>>
    tpu.enqueue_dma source(%dma_start3A_15 : memref<80xi32, #tpu.memory_space<hbm>>) target(%dma_start3A_14 : memref<80xi32, #tpu.memory_space<vmem>>) target_semaphore(%dma_start3A_11 : memref<!tpu.dma_semaphore, #tpu.memory_space<semaphore_mem>>)
    %dma_start3A_16 = arith.constant 0 : i32
    %dma_start3A_17 = arith.constant 0 : i32
    %dma_start3A_18 = arith.constant 0 : i32
    %dma_start3A_19 = tpu.memref_slice %arg8[%dma_start3A_16, %dma_start3A_18] : memref<3x80xi32, #tpu.memory_space<vmem>> -> memref<1x80xi32, #tpu.memory_space<vmem>>
    %dma_start3A_20 = tpu.memref_squeeze %dma_start3A_19 : memref<1x80xi32, #tpu.memory_space<vmem>> -> memref<80xi32, #tpu.memory_space<vmem>>
    %dma_start3A_21 = tpu.memref_slice %arg5[%multiple_of3A] : memref<320000xi32, #tpu.memory_space<hbm>> -> memref<80xi32, #tpu.memory_space<hbm>>
    %dma_start3A_22 = tpu.memref_slice %arg10[%dma_start3A_17] : memref<3x!tpu.dma_semaphore, #tpu.memory_space<semaphore_mem>> -> memref<1x!tpu.dma_semaphore, #tpu.memory_space<semaphore_mem>>
    %dma_start3A_23 = tpu.memref_squeeze %dma_start3A_22 : memref<1x!tpu.dma_semaphore, #tpu.memory_space<semaphore_mem>> -> memref<!tpu.dma_semaphore, #tpu.memory_space<semaphore_mem>>
    %dma_start3A_24 = arith.constant 0 : i32
    %dma_start3A_25 = tpu.memref_slice %arg8[%dma_start3A_16, %dma_start3A_24] : memref<3x80xi32, #tpu.memory_space<vmem>> -> memref<1x80xi32, #tpu.memory_space<vmem>>
    %dma_start3A_26 = tpu.memref_squeeze %dma_start3A_25 : memref<1x80xi32, #tpu.memory_space<vmem>> -> memref<80xi32, #tpu.memory_space<vmem>>
    %dma_start3A_27 = tpu.memref_slice %arg5[%multiple_of3A] : memref<320000xi32, #tpu.memory_space<hbm>> -> memref<80xi32, #tpu.memory_space<hbm>>
    tpu.enqueue_dma source(%dma_start3A_27 : memref<80xi32, #tpu.memory_space<hbm>>) target(%dma_start3A_26 : memref<80xi32, #tpu.memory_space<vmem>>) target_semaphore(%dma_start3A_23 : memref<!tpu.dma_semaphore, #tpu.memory_space<semaphore_mem>>)
    %scan3A = arith.constant 0 : i32
    %scan3A_28 = arith.constant 0 : i32
    %scan3A_29 = arith.constant 127 : i32
    %scan3A_30 = arith.addi %scan3A_28, %scan3A_29 : i32
    %scan3A_31 = arith.constant 1 : i32
    scf.for %scan3A_89 = %scan3A_28 to %scan3A_30 step %scan3A_31  : i32 {
      %rem3A = arith.constant 3 : i32
      %rem3A_90 = arith.remsi %scan3A_89, %rem3A : i32
      %lt3A = arith.constant 125 : i32
      %lt3A_91 = arith.cmpi slt, %scan3A_89, %lt3A : i32
      %convert_element_type3A = arith.extui %lt3A_91 : i1 to i32
      %cond3A = arith.constant 0 : i32
      %cond3A_92 = arith.cmpi ne, %convert_element_type3A, %cond3A : i32
      scf.if %cond3A_92 {
        %ge3A_117 = arith.constant 3 : i32
        %ge3A_118 = arith.cmpi sge, %scan3A_89, %ge3A_117 : i32
        %convert_element_type3A_119 = arith.extui %ge3A_118 : i1 to i32
        %cond3A_120 = arith.constant 0 : i32
        %cond3A_121 = arith.cmpi ne, %convert_element_type3A_119, %cond3A_120 : i32
        scf.if %cond3A_121 {
          %sub3A_158 = arith.constant 3 : i32
          %sub3A_159 = arith.subi %scan3A_89, %sub3A_158 : i32
          %mul3A_160 = arith.constant 80 : i32
          %mul3A_161 = arith.muli %sub3A_159, %mul3A_160 : i32
          %add3A_162 = arith.addi %mul3A_2, %mul3A_161 : i32
          %multiple_of3A_163 = tpu.assume_multiple %add3A_162, 8 : i32
          %dma_wait3A_164 = arith.constant 0 : i32
          %dma_wait3A_165 = arith.constant 0 : i32
          %dma_wait3A_166 = tpu.memref_slice %arg9[%rem3A_90, %dma_wait3A_164, %dma_wait3A_165] : memref<3x80x128xf32, #tpu.memory_space<vmem>> -> memref<1x80x128xf32, #tpu.memory_space<vmem>>
          %dma_wait3A_167 = tpu.memref_squeeze %dma_wait3A_166 : memref<1x80x128xf32, #tpu.memory_space<vmem>> -> memref<80x128xf32, #tpu.memory_space<vmem>>
          %dma_wait3A_168 = arith.constant 0 : i32
          %dma_wait3A_169 = tpu.memref_slice %arg6[%multiple_of3A_163, %dma_wait3A_168] : memref<320000x128xf32, #tpu.memory_space<hbm>> -> memref<80x128xf32, #tpu.memory_space<hbm>>
          %dma_wait3A_170 = tpu.memref_slice %arg12[%rem3A_90] : memref<3x!tpu.dma_semaphore, #tpu.memory_space<semaphore_mem>> -> memref<1x!tpu.dma_semaphore, #tpu.memory_space<semaphore_mem>>
          %dma_wait3A_171 = tpu.memref_squeeze %dma_wait3A_170 : memref<1x!tpu.dma_semaphore, #tpu.memory_space<semaphore_mem>> -> memref<!tpu.dma_semaphore, #tpu.memory_space<semaphore_mem>>
          %dma_wait3A_172 = arith.constant 0 : i32
          %dma_wait3A_173 = tpu.memref_slice %arg6[%multiple_of3A_163, %dma_wait3A_172] : memref<320000x128xf32, #tpu.memory_space<hbm>> -> memref<80x128xf32, #tpu.memory_space<hbm>>
          %dma_wait3A_174 = arith.constant 0 : i32
          %dma_wait3A_175 = arith.constant 0 : i32
          %dma_wait3A_176 = tpu.memref_slice %arg9[%rem3A_90, %dma_wait3A_174, %dma_wait3A_175] : memref<3x80x128xf32, #tpu.memory_space<vmem>> -> memref<1x80x128xf32, #tpu.memory_space<vmem>>
          %dma_wait3A_177 = tpu.memref_squeeze %dma_wait3A_176 : memref<1x80x128xf32, #tpu.memory_space<vmem>> -> memref<80x128xf32, #tpu.memory_space<vmem>>
          tpu.wait_dma2 semaphore(%dma_wait3A_171 : memref<!tpu.dma_semaphore, #tpu.memory_space<semaphore_mem>>) src(%dma_wait3A_177 : memref<80x128xf32, #tpu.memory_space<vmem>>) dst(%dma_wait3A_173 : memref<80x128xf32, #tpu.memory_space<hbm>>)
        } else {
        }
        %mul3A_122 = arith.constant 80 : i32
        %mul3A_123 = arith.muli %scan3A_89, %mul3A_122 : i32
        %add3A_124 = arith.addi %mul3A_2, %mul3A_123 : i32
        %multiple_of3A_125 = tpu.assume_multiple %add3A_124, 8 : i32
        %dma_wait3A_126 = arith.constant 0 : i32
        %dma_wait3A_127 = tpu.memref_slice %arg7[%rem3A_90, %dma_wait3A_126] : memref<3x80xi32, #tpu.memory_space<vmem>> -> memref<1x80xi32, #tpu.memory_space<vmem>>
        %dma_wait3A_128 = tpu.memref_squeeze %dma_wait3A_127 : memref<1x80xi32, #tpu.memory_space<vmem>> -> memref<80xi32, #tpu.memory_space<vmem>>
        %dma_wait3A_129 = tpu.memref_slice %arg4[%multiple_of3A_125] : memref<320000xi32, #tpu.memory_space<hbm>> -> memref<80xi32, #tpu.memory_space<hbm>>
        %dma_wait3A_130 = tpu.memref_slice %arg10[%rem3A_90] : memref<3x!tpu.dma_semaphore, #tpu.memory_space<semaphore_mem>> -> memref<1x!tpu.dma_semaphore, #tpu.memory_space<semaphore_mem>>
        %dma_wait3A_131 = tpu.memref_squeeze %dma_wait3A_130 : memref<1x!tpu.dma_semaphore, #tpu.memory_space<semaphore_mem>> -> memref<!tpu.dma_semaphore, #tpu.memory_space<semaphore_mem>>
        %dma_wait3A_132 = arith.constant 0 : i32
        %dma_wait3A_133 = tpu.memref_slice %arg7[%rem3A_90, %dma_wait3A_132] : memref<3x80xi32, #tpu.memory_space<vmem>> -> memref<1x80xi32, #tpu.memory_space<vmem>>
        %dma_wait3A_134 = tpu.memref_squeeze %dma_wait3A_133 : memref<1x80xi32, #tpu.memory_space<vmem>> -> memref<80xi32, #tpu.memory_space<vmem>>
        %dma_wait3A_135 = tpu.memref_slice %arg4[%multiple_of3A_125] : memref<320000xi32, #tpu.memory_space<hbm>> -> memref<80xi32, #tpu.memory_space<hbm>>
        tpu.wait_dma2 semaphore(%dma_wait3A_131 : memref<!tpu.dma_semaphore, #tpu.memory_space<semaphore_mem>>) src(%dma_wait3A_135 : memref<80xi32, #tpu.memory_space<hbm>>) dst(%dma_wait3A_134 : memref<80xi32, #tpu.memory_space<vmem>>)
        %dma_wait3A_136 = arith.constant 0 : i32
        %dma_wait3A_137 = tpu.memref_slice %arg8[%rem3A_90, %dma_wait3A_136] : memref<3x80xi32, #tpu.memory_space<vmem>> -> memref<1x80xi32, #tpu.memory_space<vmem>>
        %dma_wait3A_138 = tpu.memref_squeeze %dma_wait3A_137 : memref<1x80xi32, #tpu.memory_space<vmem>> -> memref<80xi32, #tpu.memory_space<vmem>>
        %dma_wait3A_139 = tpu.memref_slice %arg5[%multiple_of3A_125] : memref<320000xi32, #tpu.memory_space<hbm>> -> memref<80xi32, #tpu.memory_space<hbm>>
        %dma_wait3A_140 = tpu.memref_slice %arg10[%rem3A_90] : memref<3x!tpu.dma_semaphore, #tpu.memory_space<semaphore_mem>> -> memref<1x!tpu.dma_semaphore, #tpu.memory_space<semaphore_mem>>
        %dma_wait3A_141 = tpu.memref_squeeze %dma_wait3A_140 : memref<1x!tpu.dma_semaphore, #tpu.memory_space<semaphore_mem>> -> memref<!tpu.dma_semaphore, #tpu.memory_space<semaphore_mem>>
        %dma_wait3A_142 = arith.constant 0 : i32
        %dma_wait3A_143 = tpu.memref_slice %arg8[%rem3A_90, %dma_wait3A_142] : memref<3x80xi32, #tpu.memory_space<vmem>> -> memref<1x80xi32, #tpu.memory_space<vmem>>
        %dma_wait3A_144 = tpu.memref_squeeze %dma_wait3A_143 : memref<1x80xi32, #tpu.memory_space<vmem>> -> memref<80xi32, #tpu.memory_space<vmem>>
        %dma_wait3A_145 = tpu.memref_slice %arg5[%multiple_of3A_125] : memref<320000xi32, #tpu.memory_space<hbm>> -> memref<80xi32, #tpu.memory_space<hbm>>
        tpu.wait_dma2 semaphore(%dma_wait3A_141 : memref<!tpu.dma_semaphore, #tpu.memory_space<semaphore_mem>>) src(%dma_wait3A_145 : memref<80xi32, #tpu.memory_space<hbm>>) dst(%dma_wait3A_144 : memref<80xi32, #tpu.memory_space<vmem>>)
        %dma_start3A_146 = arith.constant 0 : i32
        %dma_start3A_147 = arith.constant 0 : i32
        %dma_start3A_148 = tpu.memref_slice %arg9[%rem3A_90, %dma_start3A_146, %dma_start3A_147] : memref<3x80x128xf32, #tpu.memory_space<vmem>> -> memref<1x80x128xf32, #tpu.memory_space<vmem>>
        %dma_start3A_149 = tpu.memref_squeeze %dma_start3A_148 : memref<1x80x128xf32, #tpu.memory_space<vmem>> -> memref<80x128xf32, #tpu.memory_space<vmem>>
        %dma_start3A_150 = arith.constant 0 : i32
        %dma_start3A_151 = tpu.memref_slice %arg7[%rem3A_90, %dma_start3A_150] : memref<3x80xi32, #tpu.memory_space<vmem>> -> memref<1x80xi32, #tpu.memory_space<vmem>>
        %dma_start3A_152 = tpu.memref_squeeze %dma_start3A_151 : memref<1x80xi32, #tpu.memory_space<vmem>> -> memref<80xi32, #tpu.memory_space<vmem>>
        %dma_start3A_153 = arith.constant 0 : i32
        %dma_start3A_154 = arith.constant 0 : i32
        %dma_start3A_155 = tpu.memref_slice %arg2[%dma_start3A_153, %dma_start3A_154] : memref<160000x128xf32, #tpu.memory_space<hbm>> -> memref<160000x128xf32, #tpu.memory_space<hbm>>
        %dma_start3A_156 = tpu.memref_slice %arg11[%rem3A_90] : memref<3x!tpu.dma_semaphore, #tpu.memory_space<semaphore_mem>> -> memref<1x!tpu.dma_semaphore, #tpu.memory_space<semaphore_mem>>
        %dma_start3A_157 = tpu.memref_squeeze %dma_start3A_156 : memref<1x!tpu.dma_semaphore, #tpu.memory_space<semaphore_mem>> -> memref<!tpu.dma_semaphore, #tpu.memory_space<semaphore_mem>>
        tpu.enqueue_indirect_dma source(%dma_start3A_155 : memref<160000x128xf32, #tpu.memory_space<hbm>>) target(%dma_start3A_149 : memref<80x128xf32, #tpu.memory_space<vmem>>) offsets(%dma_start3A_152 : memref<80xi32, #tpu.memory_space<vmem>>) semaphore(%dma_start3A_157 : memref<!tpu.dma_semaphore, #tpu.memory_space<semaphore_mem>>)
      } else {
      }
      %add3A_93 = arith.constant 1 : i32
      %add3A_94 = arith.addi %scan3A_89, %add3A_93 : i32
      %lt3A_95 = arith.constant 125 : i32
      %lt3A_96 = arith.cmpi slt, %add3A_94, %lt3A_95 : i32
      %convert_element_type3A_97 = arith.extui %lt3A_96 : i1 to i32
      %cond3A_98 = arith.constant 0 : i32
      %cond3A_99 = arith.cmpi ne, %convert_element_type3A_97, %cond3A_98 : i32
      scf.if %cond3A_99 {
        %add3A_117 = arith.constant 1 : i32
        %add3A_118 = arith.addi %scan3A_89, %add3A_117 : i32
        %add3A_119 = arith.constant 1 : i32
        %add3A_120 = arith.addi %scan3A_89, %add3A_119 : i32
        %rem3A_121 = arith.constant 3 : i32
        %rem3A_122 = arith.remsi %add3A_120, %rem3A_121 : i32
        %mul3A_123 = arith.constant 80 : i32
        %mul3A_124 = arith.muli %add3A_118, %mul3A_123 : i32
        %add3A_125 = arith.addi %mul3A_2, %mul3A_124 : i32
        %multiple_of3A_126 = tpu.assume_multiple %add3A_125, 8 : i32
        %dma_start3A_127 = arith.constant 0 : i32
        %dma_start3A_128 = tpu.memref_slice %arg7[%rem3A_122, %dma_start3A_127] : memref<3x80xi32, #tpu.memory_space<vmem>> -> memref<1x80xi32, #tpu.memory_space<vmem>>
        %dma_start3A_129 = tpu.memref_squeeze %dma_start3A_128 : memref<1x80xi32, #tpu.memory_space<vmem>> -> memref<80xi32, #tpu.memory_space<vmem>>
        %dma_start3A_130 = tpu.memref_slice %arg4[%multiple_of3A_126] : memref<320000xi32, #tpu.memory_space<hbm>> -> memref<80xi32, #tpu.memory_space<hbm>>
        %dma_start3A_131 = tpu.memref_slice %arg10[%rem3A_122] : memref<3x!tpu.dma_semaphore, #tpu.memory_space<semaphore_mem>> -> memref<1x!tpu.dma_semaphore, #tpu.memory_space<semaphore_mem>>
        %dma_start3A_132 = tpu.memref_squeeze %dma_start3A_131 : memref<1x!tpu.dma_semaphore, #tpu.memory_space<semaphore_mem>> -> memref<!tpu.dma_semaphore, #tpu.memory_space<semaphore_mem>>
        %dma_start3A_133 = arith.constant 0 : i32
        %dma_start3A_134 = tpu.memref_slice %arg7[%rem3A_122, %dma_start3A_133] : memref<3x80xi32, #tpu.memory_space<vmem>> -> memref<1x80xi32, #tpu.memory_space<vmem>>
        %dma_start3A_135 = tpu.memref_squeeze %dma_start3A_134 : memref<1x80xi32, #tpu.memory_space<vmem>> -> memref<80xi32, #tpu.memory_space<vmem>>
        %dma_start3A_136 = tpu.memref_slice %arg4[%multiple_of3A_126] : memref<320000xi32, #tpu.memory_space<hbm>> -> memref<80xi32, #tpu.memory_space<hbm>>
        tpu.enqueue_dma source(%dma_start3A_136 : memref<80xi32, #tpu.memory_space<hbm>>) target(%dma_start3A_135 : memref<80xi32, #tpu.memory_space<vmem>>) target_semaphore(%dma_start3A_132 : memref<!tpu.dma_semaphore, #tpu.memory_space<semaphore_mem>>)
        %dma_start3A_137 = arith.constant 0 : i32
        %dma_start3A_138 = tpu.memref_slice %arg8[%rem3A_122, %dma_start3A_137] : memref<3x80xi32, #tpu.memory_space<vmem>> -> memref<1x80xi32, #tpu.memory_space<vmem>>
        %dma_start3A_139 = tpu.memref_squeeze %dma_start3A_138 : memref<1x80xi32, #tpu.memory_space<vmem>> -> memref<80xi32, #tpu.memory_space<vmem>>
        %dma_start3A_140 = tpu.memref_slice %arg5[%multiple_of3A_126] : memref<320000xi32, #tpu.memory_space<hbm>> -> memref<80xi32, #tpu.memory_space<hbm>>
        %dma_start3A_141 = tpu.memref_slice %arg10[%rem3A_122] : memref<3x!tpu.dma_semaphore, #tpu.memory_space<semaphore_mem>> -> memref<1x!tpu.dma_semaphore, #tpu.memory_space<semaphore_mem>>
        %dma_start3A_142 = tpu.memref_squeeze %dma_start3A_141 : memref<1x!tpu.dma_semaphore, #tpu.memory_space<semaphore_mem>> -> memref<!tpu.dma_semaphore, #tpu.memory_space<semaphore_mem>>
        %dma_start3A_143 = arith.constant 0 : i32
        %dma_start3A_144 = tpu.memref_slice %arg8[%rem3A_122, %dma_start3A_143] : memref<3x80xi32, #tpu.memory_space<vmem>> -> memref<1x80xi32, #tpu.memory_space<vmem>>
        %dma_start3A_145 = tpu.memref_squeeze %dma_start3A_144 : memref<1x80xi32, #tpu.memory_space<vmem>> -> memref<80xi32, #tpu.memory_space<vmem>>
        %dma_start3A_146 = tpu.memref_slice %arg5[%multiple_of3A_126] : memref<320000xi32, #tpu.memory_space<hbm>> -> memref<80xi32, #tpu.memory_space<hbm>>
        tpu.enqueue_dma source(%dma_start3A_146 : memref<80xi32, #tpu.memory_space<hbm>>) target(%dma_start3A_145 : memref<80xi32, #tpu.memory_space<vmem>>) target_semaphore(%dma_start3A_142 : memref<!tpu.dma_semaphore, #tpu.memory_space<semaphore_mem>>)
      } else {
      }
      %ge3A = arith.constant 1 : i32
      %ge3A_100 = arith.cmpi sge, %scan3A_89, %ge3A : i32
      %sub3A = arith.constant 1 : i32
      %sub3A_101 = arith.subi %scan3A_89, %sub3A : i32
      %lt3A_102 = arith.constant 125 : i32
      %lt3A_103 = arith.cmpi slt, %sub3A_101, %lt3A_102 : i32
      %and3A = arith.andi %ge3A_100, %lt3A_103 : i1
      %convert_element_type3A_104 = arith.extui %and3A : i1 to i32
      %cond3A_105 = arith.constant 0 : i32
      %cond3A_106 = arith.cmpi ne, %convert_element_type3A_104, %cond3A_105 : i32
      scf.if %cond3A_106 {
        %sub3A_117 = arith.constant 1 : i32
        %sub3A_118 = arith.subi %scan3A_89, %sub3A_117 : i32
        %rem3A_119 = arith.constant 3 : i32
        %rem3A_120 = arith.remsi %sub3A_118, %rem3A_119 : i32
        %dma_wait3A_121 = arith.constant 0 : i32
        %dma_wait3A_122 = arith.constant 0 : i32
        %dma_wait3A_123 = tpu.memref_slice %arg9[%rem3A_120, %dma_wait3A_121, %dma_wait3A_122] : memref<3x80x128xf32, #tpu.memory_space<vmem>> -> memref<1x80x128xf32, #tpu.memory_space<vmem>>
        %dma_wait3A_124 = tpu.memref_squeeze %dma_wait3A_123 : memref<1x80x128xf32, #tpu.memory_space<vmem>> -> memref<80x128xf32, #tpu.memory_space<vmem>>
        %dma_wait3A_125 = arith.constant 0 : i32
        %dma_wait3A_126 = tpu.memref_slice %arg7[%rem3A_120, %dma_wait3A_125] : memref<3x80xi32, #tpu.memory_space<vmem>> -> memref<1x80xi32, #tpu.memory_space<vmem>>
        %dma_wait3A_127 = tpu.memref_squeeze %dma_wait3A_126 : memref<1x80xi32, #tpu.memory_space<vmem>> -> memref<80xi32, #tpu.memory_space<vmem>>
        %dma_wait3A_128 = arith.constant 0 : i32
        %dma_wait3A_129 = arith.constant 0 : i32
        %dma_wait3A_130 = tpu.memref_slice %arg2[%dma_wait3A_128, %dma_wait3A_129] : memref<160000x128xf32, #tpu.memory_space<hbm>> -> memref<160000x128xf32, #tpu.memory_space<hbm>>
        %dma_wait3A_131 = tpu.memref_slice %arg11[%rem3A_120] : memref<3x!tpu.dma_semaphore, #tpu.memory_space<semaphore_mem>> -> memref<1x!tpu.dma_semaphore, #tpu.memory_space<semaphore_mem>>
        %dma_wait3A_132 = tpu.memref_squeeze %dma_wait3A_131 : memref<1x!tpu.dma_semaphore, #tpu.memory_space<semaphore_mem>> -> memref<!tpu.dma_semaphore, #tpu.memory_space<semaphore_mem>>
        tpu.wait_indirect_dma semaphore(%dma_wait3A_132 : memref<!tpu.dma_semaphore, #tpu.memory_space<semaphore_mem>>) src(%dma_wait3A_130 : memref<160000x128xf32, #tpu.memory_space<hbm>>) dst(%dma_wait3A_124 : memref<80x128xf32, #tpu.memory_space<vmem>>)
        %dma_start3A_133 = arith.constant 0 : i32
        %dma_start3A_134 = arith.constant 0 : i32
        %dma_start3A_135 = tpu.memref_slice %arg9[%rem3A_120, %dma_start3A_133, %dma_start3A_134] : memref<3x80x128xf32, #tpu.memory_space<vmem>> -> memref<1x80x128xf32, #tpu.memory_space<vmem>>
        %dma_start3A_136 = tpu.memref_squeeze %dma_start3A_135 : memref<1x80x128xf32, #tpu.memory_space<vmem>> -> memref<80x128xf32, #tpu.memory_space<vmem>>
        %dma_start3A_137 = arith.constant 0 : i32
        %dma_start3A_138 = tpu.memref_slice %arg8[%rem3A_120, %dma_start3A_137] : memref<3x80xi32, #tpu.memory_space<vmem>> -> memref<1x80xi32, #tpu.memory_space<vmem>>
        %dma_start3A_139 = tpu.memref_squeeze %dma_start3A_138 : memref<1x80xi32, #tpu.memory_space<vmem>> -> memref<80xi32, #tpu.memory_space<vmem>>
        %dma_start3A_140 = arith.constant 0 : i32
        %dma_start3A_141 = arith.constant 0 : i32
        %dma_start3A_142 = tpu.memref_slice %arg3[%dma_start3A_140, %dma_start3A_141] : memref<160000x128xf32, #tpu.memory_space<hbm>> -> memref<160000x128xf32, #tpu.memory_space<hbm>>
        %dma_start3A_143 = tpu.memref_slice %arg11[%rem3A_120] : memref<3x!tpu.dma_semaphore, #tpu.memory_space<semaphore_mem>> -> memref<1x!tpu.dma_semaphore, #tpu.memory_space<semaphore_mem>>
        %dma_start3A_144 = tpu.memref_squeeze %dma_start3A_143 : memref<1x!tpu.dma_semaphore, #tpu.memory_space<semaphore_mem>> -> memref<!tpu.dma_semaphore, #tpu.memory_space<semaphore_mem>>
        tpu.enqueue_indirect_dma source(%dma_start3A_142 : memref<160000x128xf32, #tpu.memory_space<hbm>>) target(%dma_start3A_136 : memref<80x128xf32, #tpu.memory_space<vmem>>) offsets(%dma_start3A_139 : memref<80xi32, #tpu.memory_space<vmem>>) semaphore(%dma_start3A_144 : memref<!tpu.dma_semaphore, #tpu.memory_space<semaphore_mem>>) {add = true}
      } else {
      }
      %ge3A_107 = arith.constant 2 : i32
      %ge3A_108 = arith.cmpi sge, %scan3A_89, %ge3A_107 : i32
      %sub3A_109 = arith.constant 2 : i32
      %sub3A_110 = arith.subi %scan3A_89, %sub3A_109 : i32
      %lt3A_111 = arith.constant 125 : i32
      %lt3A_112 = arith.cmpi slt, %sub3A_110, %lt3A_111 : i32
      %and3A_113 = arith.andi %ge3A_108, %lt3A_112 : i1
      %convert_element_type3A_114 = arith.extui %and3A_113 : i1 to i32
      %cond3A_115 = arith.constant 0 : i32
      %cond3A_116 = arith.cmpi ne, %convert_element_type3A_114, %cond3A_115 : i32
      scf.if %cond3A_116 {
        %sub3A_117 = arith.constant 2 : i32
        %sub3A_118 = arith.subi %scan3A_89, %sub3A_117 : i32
        %rem3A_119 = arith.constant 3 : i32
        %rem3A_120 = arith.remsi %sub3A_118, %rem3A_119 : i32
        %dma_wait3A_121 = arith.constant 0 : i32
        %dma_wait3A_122 = arith.constant 0 : i32
        %dma_wait3A_123 = tpu.memref_slice %arg9[%rem3A_120, %dma_wait3A_121, %dma_wait3A_122] : memref<3x80x128xf32, #tpu.memory_space<vmem>> -> memref<1x80x128xf32, #tpu.memory_space<vmem>>
        %dma_wait3A_124 = tpu.memref_squeeze %dma_wait3A_123 : memref<1x80x128xf32, #tpu.memory_space<vmem>> -> memref<80x128xf32, #tpu.memory_space<vmem>>
        %dma_wait3A_125 = arith.constant 0 : i32
        %dma_wait3A_126 = tpu.memref_slice %arg8[%rem3A_120, %dma_wait3A_125] : memref<3x80xi32, #tpu.memory_space<vmem>> -> memref<1x80xi32, #tpu.memory_space<vmem>>
        %dma_wait3A_127 = tpu.memref_squeeze %dma_wait3A_126 : memref<1x80xi32, #tpu.memory_space<vmem>> -> memref<80xi32, #tpu.memory_space<vmem>>
        %dma_wait3A_128 = arith.constant 0 : i32
        %dma_wait3A_129 = arith.constant 0 : i32
        %dma_wait3A_130 = tpu.memref_slice %arg3[%dma_wait3A_128, %dma_wait3A_129] : memref<160000x128xf32, #tpu.memory_space<hbm>> -> memref<160000x128xf32, #tpu.memory_space<hbm>>
        %dma_wait3A_131 = tpu.memref_slice %arg11[%rem3A_120] : memref<3x!tpu.dma_semaphore, #tpu.memory_space<semaphore_mem>> -> memref<1x!tpu.dma_semaphore, #tpu.memory_space<semaphore_mem>>
        %dma_wait3A_132 = tpu.memref_squeeze %dma_wait3A_131 : memref<1x!tpu.dma_semaphore, #tpu.memory_space<semaphore_mem>> -> memref<!tpu.dma_semaphore, #tpu.memory_space<semaphore_mem>>
        tpu.wait_indirect_dma semaphore(%dma_wait3A_132 : memref<!tpu.dma_semaphore, #tpu.memory_space<semaphore_mem>>) src(%dma_wait3A_130 : memref<160000x128xf32, #tpu.memory_space<hbm>>) dst(%dma_wait3A_124 : memref<80x128xf32, #tpu.memory_space<vmem>>)
        %sub3A_133 = arith.constant 2 : i32
        %sub3A_134 = arith.subi %scan3A_89, %sub3A_133 : i32
        %mul3A_135 = arith.constant 80 : i32
        %mul3A_136 = arith.muli %sub3A_134, %mul3A_135 : i32
        %add3A_137 = arith.addi %mul3A_2, %mul3A_136 : i32
        %multiple_of3A_138 = tpu.assume_multiple %add3A_137, 8 : i32
        %dma_start3A_139 = arith.constant 0 : i32
        %dma_start3A_140 = arith.constant 0 : i32
        %dma_start3A_141 = tpu.memref_slice %arg9[%rem3A_120, %dma_start3A_139, %dma_start3A_140] : memref<3x80x128xf32, #tpu.memory_space<vmem>> -> memref<1x80x128xf32, #tpu.memory_space<vmem>>
        %dma_start3A_142 = tpu.memref_squeeze %dma_start3A_141 : memref<1x80x128xf32, #tpu.memory_space<vmem>> -> memref<80x128xf32, #tpu.memory_space<vmem>>
        %dma_start3A_143 = arith.constant 0 : i32
        %dma_start3A_144 = tpu.memref_slice %arg6[%multiple_of3A_138, %dma_start3A_143] : memref<320000x128xf32, #tpu.memory_space<hbm>> -> memref<80x128xf32, #tpu.memory_space<hbm>>
        %dma_start3A_145 = tpu.memref_slice %arg12[%rem3A_120] : memref<3x!tpu.dma_semaphore, #tpu.memory_space<semaphore_mem>> -> memref<1x!tpu.dma_semaphore, #tpu.memory_space<semaphore_mem>>
        %dma_start3A_146 = tpu.memref_squeeze %dma_start3A_145 : memref<1x!tpu.dma_semaphore, #tpu.memory_space<semaphore_mem>> -> memref<!tpu.dma_semaphore, #tpu.memory_space<semaphore_mem>>
        %dma_start3A_147 = arith.constant 0 : i32
        %dma_start3A_148 = tpu.memref_slice %arg6[%multiple_of3A_138, %dma_start3A_147] : memref<320000x128xf32, #tpu.memory_space<hbm>> -> memref<80x128xf32, #tpu.memory_space<hbm>>
        %dma_start3A_149 = arith.constant 0 : i32
        %dma_start3A_150 = arith.constant 0 : i32
        %dma_start3A_151 = tpu.memref_slice %arg9[%rem3A_120, %dma_start3A_149, %dma_start3A_150] : memref<3x80x128xf32, #tpu.memory_space<vmem>> -> memref<1x80x128xf32, #tpu.memory_space<vmem>>
        %dma_start3A_152 = tpu.memref_squeeze %dma_start3A_151 : memref<1x80x128xf32, #tpu.memory_space<vmem>> -> memref<80x128xf32, #tpu.memory_space<vmem>>
        tpu.enqueue_dma source(%dma_start3A_152 : memref<80x128xf32, #tpu.memory_space<vmem>>) target(%dma_start3A_148 : memref<80x128xf32, #tpu.memory_space<hbm>>) target_semaphore(%dma_start3A_146 : memref<!tpu.dma_semaphore, #tpu.memory_space<semaphore_mem>>)
      } else {
      }
    }
    %scan3A_32 = arith.constant 127 : i32
    %add3A_33 = arith.constant 9760 : i32
    %add3A_34 = arith.addi %mul3A_2, %add3A_33 : i32
    %multiple_of3A_35 = tpu.assume_multiple %add3A_34, 8 : i32
    %dma_wait3A = arith.constant 2 : i32
    %dma_wait3A_36 = arith.constant 2 : i32
    %dma_wait3A_37 = arith.constant 0 : i32
    %dma_wait3A_38 = arith.constant 0 : i32
    %dma_wait3A_39 = tpu.memref_slice %arg9[%dma_wait3A, %dma_wait3A_37, %dma_wait3A_38] : memref<3x80x128xf32, #tpu.memory_space<vmem>> -> memref<1x80x128xf32, #tpu.memory_space<vmem>>
    %dma_wait3A_40 = tpu.memref_squeeze %dma_wait3A_39 : memref<1x80x128xf32, #tpu.memory_space<vmem>> -> memref<80x128xf32, #tpu.memory_space<vmem>>
    %dma_wait3A_41 = arith.constant 0 : i32
    %dma_wait3A_42 = tpu.memref_slice %arg6[%multiple_of3A_35, %dma_wait3A_41] : memref<320000x128xf32, #tpu.memory_space<hbm>> -> memref<80x128xf32, #tpu.memory_space<hbm>>
    %dma_wait3A_43 = tpu.memref_slice %arg12[%dma_wait3A_36] : memref<3x!tpu.dma_semaphore, #tpu.memory_space<semaphore_mem>> -> memref<1x!tpu.dma_semaphore, #tpu.memory_space<semaphore_mem>>
    %dma_wait3A_44 = tpu.memref_squeeze %dma_wait3A_43 : memref<1x!tpu.dma_semaphore, #tpu.memory_space<semaphore_mem>> -> memref<!tpu.dma_semaphore, #tpu.memory_space<semaphore_mem>>
    %dma_wait3A_45 = arith.constant 0 : i32
    %dma_wait3A_46 = tpu.memref_slice %arg6[%multiple_of3A_35, %dma_wait3A_45] : memref<320000x128xf32, #tpu.memory_space<hbm>> -> memref<80x128xf32, #tpu.memory_space<hbm>>
    %dma_wait3A_47 = arith.constant 0 : i32
    %dma_wait3A_48 = arith.constant 0 : i32
    %dma_wait3A_49 = tpu.memref_slice %arg9[%dma_wait3A, %dma_wait3A_47, %dma_wait3A_48] : memref<3x80x128xf32, #tpu.memory_space<vmem>> -> memref<1x80x128xf32, #tpu.memory_space<vmem>>
    %dma_wait3A_50 = tpu.memref_squeeze %dma_wait3A_49 : memref<1x80x128xf32, #tpu.memory_space<vmem>> -> memref<80x128xf32, #tpu.memory_space<vmem>>
    tpu.wait_dma2 semaphore(%dma_wait3A_44 : memref<!tpu.dma_semaphore, #tpu.memory_space<semaphore_mem>>) src(%dma_wait3A_50 : memref<80x128xf32, #tpu.memory_space<vmem>>) dst(%dma_wait3A_46 : memref<80x128xf32, #tpu.memory_space<hbm>>)
    %add3A_51 = arith.constant 9840 : i32
    %add3A_52 = arith.addi %mul3A_2, %add3A_51 : i32
    %multiple_of3A_53 = tpu.assume_multiple %add3A_52, 8 : i32
    %dma_wait3A_54 = arith.constant 0 : i32
    %dma_wait3A_55 = arith.constant 0 : i32
    %dma_wait3A_56 = arith.constant 0 : i32
    %dma_wait3A_57 = arith.constant 0 : i32
    %dma_wait3A_58 = tpu.memref_slice %arg9[%dma_wait3A_54, %dma_wait3A_56, %dma_wait3A_57] : memref<3x80x128xf32, #tpu.memory_space<vmem>> -> memref<1x80x128xf32, #tpu.memory_space<vmem>>
    %dma_wait3A_59 = tpu.memref_squeeze %dma_wait3A_58 : memref<1x80x128xf32, #tpu.memory_space<vmem>> -> memref<80x128xf32, #tpu.memory_space<vmem>>
    %dma_wait3A_60 = arith.constant 0 : i32
    %dma_wait3A_61 = tpu.memref_slice %arg6[%multiple_of3A_53, %dma_wait3A_60] : memref<320000x128xf32, #tpu.memory_space<hbm>> -> memref<80x128xf32, #tpu.memory_space<hbm>>
    %dma_wait3A_62 = tpu.memref_slice %arg12[%dma_wait3A_55] : memref<3x!tpu.dma_semaphore, #tpu.memory_space<semaphore_mem>> -> memref<1x!tpu.dma_semaphore, #tpu.memory_space<semaphore_mem>>
    %dma_wait3A_63 = tpu.memref_squeeze %dma_wait3A_62 : memref<1x!tpu.dma_semaphore, #tpu.memory_space<semaphore_mem>> -> memref<!tpu.dma_semaphore, #tpu.memory_space<semaphore_mem>>
    %dma_wait3A_64 = arith.constant 0 : i32
    %dma_wait3A_65 = tpu.memref_slice %arg6[%multiple_of3A_53, %dma_wait3A_64] : memref<320000x128xf32, #tpu.memory_space<hbm>> -> memref<80x128xf32, #tpu.memory_space<hbm>>
    %dma_wait3A_66 = arith.constant 0 : i32
    %dma_wait3A_67 = arith.constant 0 : i32
    %dma_wait3A_68 = tpu.memref_slice %arg9[%dma_wait3A_54, %dma_wait3A_66, %dma_wait3A_67] : memref<3x80x128xf32, #tpu.memory_space<vmem>> -> memref<1x80x128xf32, #tpu.memory_space<vmem>>
    %dma_wait3A_69 = tpu.memref_squeeze %dma_wait3A_68 : memref<1x80x128xf32, #tpu.memory_space<vmem>> -> memref<80x128xf32, #tpu.memory_space<vmem>>
    tpu.wait_dma2 semaphore(%dma_wait3A_63 : memref<!tpu.dma_semaphore, #tpu.memory_space<semaphore_mem>>) src(%dma_wait3A_69 : memref<80x128xf32, #tpu.memory_space<vmem>>) dst(%dma_wait3A_65 : memref<80x128xf32, #tpu.memory_space<hbm>>)
    %add3A_70 = arith.constant 9920 : i32
    %add3A_71 = arith.addi %mul3A_2, %add3A_70 : i32
    %multiple_of3A_72 = tpu.assume_multiple %add3A_71, 8 : i32
    %dma_wait3A_73 = arith.constant 1 : i32
    %dma_wait3A_74 = arith.constant 1 : i32
    %dma_wait3A_75 = arith.constant 0 : i32
    %dma_wait3A_76 = arith.constant 0 : i32
    %dma_wait3A_77 = tpu.memref_slice %arg9[%dma_wait3A_73, %dma_wait3A_75, %dma_wait3A_76] : memref<3x80x128xf32, #tpu.memory_space<vmem>> -> memref<1x80x128xf32, #tpu.memory_space<vmem>>
    %dma_wait3A_78 = tpu.memref_squeeze %dma_wait3A_77 : memref<1x80x128xf32, #tpu.memory_space<vmem>> -> memref<80x128xf32, #tpu.memory_space<vmem>>
    %dma_wait3A_79 = arith.constant 0 : i32
    %dma_wait3A_80 = tpu.memref_slice %arg6[%multiple_of3A_72, %dma_wait3A_79] : memref<320000x128xf32, #tpu.memory_space<hbm>> -> memref<80x128xf32, #tpu.memory_space<hbm>>
    %dma_wait3A_81 = tpu.memref_slice %arg12[%dma_wait3A_74] : memref<3x!tpu.dma_semaphore, #tpu.memory_space<semaphore_mem>> -> memref<1x!tpu.dma_semaphore, #tpu.memory_space<semaphore_mem>>
    %dma_wait3A_82 = tpu.memref_squeeze %dma_wait3A_81 : memref<1x!tpu.dma_semaphore, #tpu.memory_space<semaphore_mem>> -> memref<!tpu.dma_semaphore, #tpu.memory_space<semaphore_mem>>
    %dma_wait3A_83 = arith.constant 0 : i32
    %dma_wait3A_84 = tpu.memref_slice %arg6[%multiple_of3A_72, %dma_wait3A_83] : memref<320000x128xf32, #tpu.memory_space<hbm>> -> memref<80x128xf32, #tpu.memory_space<hbm>>
    %dma_wait3A_85 = arith.constant 0 : i32
    %dma_wait3A_86 = arith.constant 0 : i32
    %dma_wait3A_87 = tpu.memref_slice %arg9[%dma_wait3A_73, %dma_wait3A_85, %dma_wait3A_86] : memref<3x80x128xf32, #tpu.memory_space<vmem>> -> memref<1x80x128xf32, #tpu.memory_space<vmem>>
    %dma_wait3A_88 = tpu.memref_squeeze %dma_wait3A_87 : memref<1x80x128xf32, #tpu.memory_space<vmem>> -> memref<80x128xf32, #tpu.memory_space<vmem>>
    tpu.wait_dma2 semaphore(%dma_wait3A_82 : memref<!tpu.dma_semaphore, #tpu.memory_space<semaphore_mem>>) src(%dma_wait3A_88 : memref<80x128xf32, #tpu.memory_space<vmem>>) dst(%dma_wait3A_84 : memref<80x128xf32, #tpu.memory_space<hbm>>)
    return
  }
}

module attributes {stable_mosaic.version = 14 : i64} {
  func.func @_pre_body(%arg0: i32, %arg1: memref<640x128xf32, #tpu.memory_space<vmem>>, %arg2: memref<128x128xf32, #tpu.memory_space<vmem>>, %arg3: memref<128x128xf32, #tpu.memory_space<vmem>>, %arg4: memref<640x128xf32, #tpu.memory_space<vmem>>, %arg5: memref<640x128xf32, #tpu.memory_space<vmem>>) attributes {dimension_semantics = [#tpu.dimension_semantics<arbitrary>], iteration_bounds = array<i64: 250>, scalar_prefetch = 0 : i64, scratch_operands = 0 : i64, tpu.core_type = #tpu.core_type<tc>, window_params = [{transform_indices = @transform_0, window_bounds = array<i64: 640, 128>}, {pipeline_mode = #tpu.pipeline_mode<synchronous>, transform_indices = @transform_1, window_bounds = array<i64: 128, 128>}, {pipeline_mode = #tpu.pipeline_mode<synchronous>, transform_indices = @transform_2, window_bounds = array<i64: 128, 128>}, {transform_indices = @transform_3, window_bounds = array<i64: 640, 128>}, {transform_indices = @transform_4, window_bounds = array<i64: 640, 128>}]} {
    %get3A = arith.constant 0 : index
    %get3A_0 = arith.constant 0 : index
    %get3A_1 = vector.load %arg1[%get3A, %get3A_0] : memref<640x128xf32, #tpu.memory_space<vmem>>, vector<640x128xf32>
    %get3A_2 = arith.constant 0 : index
    %get3A_3 = arith.constant 0 : index
    %get3A_4 = vector.load %arg2[%get3A_2, %get3A_3] : memref<128x128xf32, #tpu.memory_space<vmem>>, vector<128x128xf32>
    %dot_general3A = arith.constant dense<0.000000e+00> : vector<640x128xf32>
    %dot_general3A_5 = tpu.matmul %get3A_1, %get3A_4, %dot_general3A {dimension_numbers = #tpu.dot_dimension_numbers<[1], [0], [0], [1], [0, 0, 1, 1], [], []>, transpose_lhs_hint = false} : vector<640x128xf32>, vector<128x128xf32>, vector<640x128xf32> -> vector<640x128xf32>
    %swap3A = arith.constant 0 : index
    %swap3A_6 = arith.constant 0 : index
    %swap3A_7 = vector.load %arg4[%swap3A, %swap3A_6] : memref<640x128xf32, #tpu.memory_space<vmem>>, vector<640x128xf32>
    tpu.vector_store %arg4[%swap3A, %swap3A_6], %dot_general3A_5 {strides = array<i32>} : memref<640x128xf32, #tpu.memory_space<vmem>>, vector<640x128xf32>,
    %get3A_8 = arith.constant 0 : index
    %get3A_9 = arith.constant 0 : index
    %get3A_10 = vector.load %arg3[%get3A_8, %get3A_9] : memref<128x128xf32, #tpu.memory_space<vmem>>, vector<128x128xf32>
    %dot_general3A_11 = arith.constant dense<0.000000e+00> : vector<640x128xf32>
    %dot_general3A_12 = tpu.matmul %get3A_1, %get3A_10, %dot_general3A_11 {dimension_numbers = #tpu.dot_dimension_numbers<[1], [0], [0], [1], [0, 0, 1, 1], [], []>, transpose_lhs_hint = false} : vector<640x128xf32>, vector<128x128xf32>, vector<640x128xf32> -> vector<640x128xf32>
    %swap3A_13 = arith.constant 0 : index
    %swap3A_14 = arith.constant 0 : index
    %swap3A_15 = vector.load %arg5[%swap3A_13, %swap3A_14] : memref<640x128xf32, #tpu.memory_space<vmem>>, vector<640x128xf32>
    tpu.vector_store %arg5[%swap3A_13, %swap3A_14], %dot_general3A_12 {strides = array<i32>} : memref<640x128xf32, #tpu.memory_space<vmem>>, vector<640x128xf32>,
    return
  }
  func.func @transform_0(%arg0: i32) -> (i32, i32) {
    %c0_i32 = arith.constant 0 : i32
    %c0_i32_0 = arith.constant 0 : i32
    return %arg0, %c0_i32 : i32, i32
  }
  func.func @transform_1(%arg0: i32) -> (i32, i32) {
    %c0_i32 = arith.constant 0 : i32
    %c0_i32_0 = arith.constant 0 : i32
    %c0_i32_1 = arith.constant 0 : i32
    return %c0_i32, %c0_i32_0 : i32, i32
  }
  func.func @transform_2(%arg0: i32) -> (i32, i32) {
    %c0_i32 = arith.constant 0 : i32
    %c0_i32_0 = arith.constant 0 : i32
    %c0_i32_1 = arith.constant 0 : i32
    return %c0_i32, %c0_i32_0 : i32, i32
  }
  func.func @transform_3(%arg0: i32) -> (i32, i32) {
    %c0_i32 = arith.constant 0 : i32
    %c0_i32_0 = arith.constant 0 : i32
    return %arg0, %c0_i32 : i32, i32
  }
  func.func @transform_4(%arg0: i32) -> (i32, i32) {
    %c0_i32 = arith.constant 0 : i32
    %c0_i32_0 = arith.constant 0 : i32
    return %arg0, %c0_i32 : i32, i32
  }
}

module attributes {stable_mosaic.version = 14 : i64} {
  func.func @_p1_body(%arg0: i32, %arg1: memref<64x2560xf32, #tpu.memory_space<vmem>>, %arg2: memref<2560x128xf32, #tpu.memory_space<vmem>>, %arg3: memref<64x128xf32, #tpu.memory_space<vmem>>, %arg4: memref<1x1x2560xi32, #tpu.memory_space<vmem>>, %arg5: memref<256x256xf32, #tpu.memory_space<vmem>>) attributes {dimension_semantics = [#tpu.dimension_semantics<arbitrary>], iteration_bounds = array<i64: 125>, scalar_prefetch = 0 : i64, scratch_operands = 0 : i64, tpu.core_type = #tpu.core_type<tc>, window_params = [{transform_indices = @transform_0, window_bounds = array<i64: 64, 2560>}, {transform_indices = @transform_1, window_bounds = array<i64: 2560, 128>}, {pipeline_mode = #tpu.pipeline_mode<synchronous>, transform_indices = @transform_2, window_bounds = array<i64: 64, 128>}, {transform_indices = @transform_3, window_bounds = array<i64: 1, 1, 2560>}, {pipeline_mode = #tpu.pipeline_mode<synchronous>, transform_indices = @transform_4, window_bounds = array<i64: 256, 256>}]} {
    %get3A = arith.constant 0 : index
    %get3A_0 = arith.constant 0 : index
    %get3A_1 = vector.load %arg2[%get3A, %get3A_0] : memref<2560x128xf32, #tpu.memory_space<vmem>>, vector<2560x128xf32>
    %get3A_2 = arith.constant 0 : index
    %get3A_3 = arith.constant 0 : index
    %get3A_4 = vector.load %arg1[%get3A_2, %get3A_3] : memref<64x2560xf32, #tpu.memory_space<vmem>>, vector<64x2560xf32>
    %get3A_5 = arith.constant 0 : index
    %get3A_6 = arith.constant 0 : index
    %get3A_7 = vector.load %arg3[%get3A_5, %get3A_6] : memref<64x128xf32, #tpu.memory_space<vmem>>, vector<64x128xf32>
    %dot_general3A = arith.constant dense<0.000000e+00> : vector<2560x128xf32>
    %dot_general3A_8 = tpu.matmul %get3A_4, %get3A_7, %dot_general3A {dimension_numbers = #tpu.dot_dimension_numbers<[0], [0], [1], [1], [0, 1, 1, 1], [], []>, transpose_lhs_hint = false} : vector<64x2560xf32>, vector<64x128xf32>, vector<2560x128xf32> -> vector<2560x128xf32>
    %add3A = arith.addf %get3A_1, %dot_general3A_8 : vector<2560x128xf32>
    %get3A_9 = arith.constant 0 : index
    %get3A_10 = arith.constant 0 : index
    %get3A_11 = arith.constant 0 : index
    %get3A_12 = vector.load %arg4[%get3A_9, %get3A_10, %get3A_11] : memref<1x1x2560xi32, #tpu.memory_space<vmem>>, vector<1x1x2560xi32>
    %get3A_13 = vector.shape_cast %get3A_12 : vector<1x1x2560xi32> to vector<2560xi32>
    %iota3A = tpu.iota {dimensions = array<i32: 0>} : vector<256x2560xi32>
    %broadcast_in_dim3A = vector.shape_cast %get3A_13 : vector<2560xi32> to vector<1x2560xi32>
    %eq3A = vector.broadcast %broadcast_in_dim3A : vector<1x2560xi32> to vector<256x2560xi32>
    %eq3A_14 = arith.cmpi eq, %iota3A, %eq3A : vector<256x2560xi32>
    %convert_element_type3A = arith.extui %eq3A_14 : vector<256x2560xi1> to vector<256x2560xi32>
    %convert_element_type3A_15 = arith.sitofp %convert_element_type3A : vector<256x2560xi32> to vector<256x2560xf32>
    %eq3A_16 = arith.constant 0 : i32
    %eq3A_17 = arith.cmpi eq, %arg0, %eq3A_16 : i32
    %convert_element_type3A_18 = arith.extui %eq3A_17 : i1 to i32
    %cond3A = arith.constant 0 : i32
    %cond3A_19 = arith.cmpi ne, %convert_element_type3A_18, %cond3A : i32
    scf.if %cond3A_19 {
      %broadcast_in_dim3A_37 = arith.constant 0.000000e+00 : f32
      %broadcast_in_dim3A_38 = vector.broadcast %broadcast_in_dim3A_37 : f32 to vector<256x256xf32>
      %swap3A_39 = arith.constant 0 : index
      %swap3A_40 = arith.constant 0 : index
      %swap3A_41 = vector.load %arg5[%swap3A_39, %swap3A_40] : memref<256x256xf32, #tpu.memory_space<vmem>>, vector<256x256xf32>
      tpu.vector_store %arg5[%swap3A_39, %swap3A_40], %broadcast_in_dim3A_38 {strides = array<i32>} : memref<256x256xf32, #tpu.memory_space<vmem>>, vector<256x256xf32>,
    } else {
    }
    %get3A_20 = arith.constant 0 : index
    %get3A_21 = arith.constant 0 : index
    %get3A_22 = vector.load %arg5[%get3A_20, %get3A_21] : memref<256x256xf32, #tpu.memory_space<vmem>>, vector<256x128xf32>
    %dot_general3A_23 = arith.constant dense<0.000000e+00> : vector<256x128xf32>
    %dot_general3A_24 = tpu.matmul %convert_element_type3A_15, %add3A, %dot_general3A_23 {dimension_numbers = #tpu.dot_dimension_numbers<[1], [0], [0], [1], [0, 0, 1, 1], [], []>, transpose_lhs_hint = false} : vector<256x2560xf32>, vector<2560x128xf32>, vector<256x128xf32> -> vector<256x128xf32>
    %add3A_25 = arith.addf %get3A_22, %dot_general3A_24 : vector<256x128xf32>
    %swap3A = arith.constant 0 : index
    %swap3A_26 = arith.constant 0 : index
    %swap3A_27 = vector.load %arg5[%swap3A, %swap3A_26] : memref<256x256xf32, #tpu.memory_space<vmem>>, vector<256x128xf32>
    tpu.vector_store %arg5[%swap3A, %swap3A_26], %add3A_25 {strides = array<i32>} : memref<256x256xf32, #tpu.memory_space<vmem>>, vector<256x128xf32>,
    %get3A_28 = arith.constant 0 : index
    %get3A_29 = arith.constant 128 : index
    %get3A_30 = vector.load %arg5[%get3A_28, %get3A_29] : memref<256x256xf32, #tpu.memory_space<vmem>>, vector<256x128xf32>
    %mul3A = arith.mulf %add3A, %add3A : vector<2560x128xf32>
    %dot_general3A_31 = arith.constant dense<0.000000e+00> : vector<256x128xf32>
    %dot_general3A_32 = tpu.matmul %convert_element_type3A_15, %mul3A, %dot_general3A_31 {dimension_numbers = #tpu.dot_dimension_numbers<[1], [0], [0], [1], [0, 0, 1, 1], [], []>, transpose_lhs_hint = false} : vector<256x2560xf32>, vector<2560x128xf32>, vector<256x128xf32> -> vector<256x128xf32>
    %add3A_33 = arith.addf %get3A_30, %dot_general3A_32 : vector<256x128xf32>
    %swap3A_34 = arith.constant 0 : index
    %swap3A_35 = arith.constant 128 : index
    %swap3A_36 = vector.load %arg5[%swap3A_34, %swap3A_35] : memref<256x256xf32, #tpu.memory_space<vmem>>, vector<256x128xf32>
    tpu.vector_store %arg5[%swap3A_34, %swap3A_35], %add3A_33 {strides = array<i32>} : memref<256x256xf32, #tpu.memory_space<vmem>>, vector<256x128xf32>,
    return
  }
  func.func @transform_0(%arg0: i32) -> (i32, i32) {
    %c0_i32 = arith.constant 0 : i32
    %c0_i32_0 = arith.constant 0 : i32
    return %c0_i32, %arg0 : i32, i32
  }
  func.func @transform_1(%arg0: i32) -> (i32, i32) {
    %c0_i32 = arith.constant 0 : i32
    %c0_i32_0 = arith.constant 0 : i32
    return %arg0, %c0_i32 : i32, i32
  }
  func.func @transform_2(%arg0: i32) -> (i32, i32) {
    %c0_i32 = arith.constant 0 : i32
    %c0_i32_0 = arith.constant 0 : i32
    %c0_i32_1 = arith.constant 0 : i32
    return %c0_i32, %c0_i32_0 : i32, i32
  }
  func.func @transform_3(%arg0: i32) -> (i32, i32, i32) {
    %c0_i32 = arith.constant 0 : i32
    %c0_i32_0 = arith.constant 0 : i32
    %c0_i32_1 = arith.constant 0 : i32
    return %arg0, %c0_i32, %c0_i32_0 : i32, i32, i32
  }
  func.func @transform_4(%arg0: i32) -> (i32, i32) {
    %c0_i32 = arith.constant 0 : i32
    %c0_i32_0 = arith.constant 0 : i32
    %c0_i32_1 = arith.constant 0 : i32
    return %c0_i32, %c0_i32_0 : i32, i32
  }
}

module attributes {stable_mosaic.version = 14 : i64} {
  func.func @_p2_body(%arg0: i32, %arg1: memref<64x2560xf32, #tpu.memory_space<vmem>>, %arg2: memref<2560x128xf32, #tpu.memory_space<vmem>>, %arg3: memref<64x128xf32, #tpu.memory_space<vmem>>, %arg4: memref<1x1x2560xi32, #tpu.memory_space<vmem>>, %arg5: memref<256x256xf32, #tpu.memory_space<vmem>>, %arg6: memref<64x64xf32, #tpu.memory_space<vmem>>, %arg7: memref<64x64xf32, #tpu.memory_space<vmem>>, %arg8: memref<64x2560xf32, #tpu.memory_space<vmem>>, %arg9: memref<256x128xf32, #tpu.memory_space<vmem>>) attributes {dimension_semantics = [#tpu.dimension_semantics<arbitrary>], iteration_bounds = array<i64: 125>, scalar_prefetch = 0 : i64, scratch_operands = 0 : i64, tpu.core_type = #tpu.core_type<tc>, window_params = [{transform_indices = @transform_0, window_bounds = array<i64: 64, 2560>}, {transform_indices = @transform_1, window_bounds = array<i64: 2560, 128>}, {pipeline_mode = #tpu.pipeline_mode<synchronous>, transform_indices = @transform_2, window_bounds = array<i64: 64, 128>}, {transform_indices = @transform_3, window_bounds = array<i64: 1, 1, 2560>}, {pipeline_mode = #tpu.pipeline_mode<synchronous>, transform_indices = @transform_4, window_bounds = array<i64: 256, 256>}, {pipeline_mode = #tpu.pipeline_mode<synchronous>, transform_indices = @transform_5, window_bounds = array<i64: 64, 64>}, {pipeline_mode = #tpu.pipeline_mode<synchronous>, transform_indices = @transform_6, window_bounds = array<i64: 64, 64>}, {transform_indices = @transform_7, window_bounds = array<i64: 64, 2560>}, {pipeline_mode = #tpu.pipeline_mode<synchronous>, transform_indices = @transform_8, window_bounds = array<i64: 256, 128>}]} {
    %get3A = arith.constant 0 : index
    %get3A_0 = arith.constant 0 : index
    %get3A_1 = vector.load %arg2[%get3A, %get3A_0] : memref<2560x128xf32, #tpu.memory_space<vmem>>, vector<2560x128xf32>
    %get3A_2 = arith.constant 0 : index
    %get3A_3 = arith.constant 0 : index
    %get3A_4 = vector.load %arg1[%get3A_2, %get3A_3] : memref<64x2560xf32, #tpu.memory_space<vmem>>, vector<64x2560xf32>
    %get3A_5 = arith.constant 0 : index
    %get3A_6 = arith.constant 0 : index
    %get3A_7 = vector.load %arg3[%get3A_5, %get3A_6] : memref<64x128xf32, #tpu.memory_space<vmem>>, vector<64x128xf32>
    %dot_general3A = arith.constant dense<0.000000e+00> : vector<2560x128xf32>
    %dot_general3A_8 = tpu.matmul %get3A_4, %get3A_7, %dot_general3A {dimension_numbers = #tpu.dot_dimension_numbers<[0], [0], [1], [1], [0, 1, 1, 1], [], []>, transpose_lhs_hint = false} : vector<64x2560xf32>, vector<64x128xf32>, vector<2560x128xf32> -> vector<2560x128xf32>
    %add3A = arith.addf %get3A_1, %dot_general3A_8 : vector<2560x128xf32>
    %get3A_9 = arith.constant 0 : index
    %get3A_10 = arith.constant 0 : index
    %get3A_11 = arith.constant 0 : index
    %get3A_12 = vector.load %arg4[%get3A_9, %get3A_10, %get3A_11] : memref<1x1x2560xi32, #tpu.memory_space<vmem>>, vector<1x1x2560xi32>
    %get3A_13 = vector.shape_cast %get3A_12 : vector<1x1x2560xi32> to vector<2560xi32>
    %iota3A = tpu.iota {dimensions = array<i32: 1>} : vector<2560x256xi32>
    %broadcast_in_dim3A = vector.shape_cast %get3A_13 : vector<2560xi32> to vector<2560x1xi32>
    %eq3A = vector.broadcast %broadcast_in_dim3A : vector<2560x1xi32> to vector<2560x256xi32>
    %eq3A_14 = arith.cmpi eq, %iota3A, %eq3A : vector<2560x256xi32>
    %convert_element_type3A = arith.extui %eq3A_14 : vector<2560x256xi1> to vector<2560x256xi32>
    %convert_element_type3A_15 = arith.sitofp %convert_element_type3A : vector<2560x256xi32> to vector<2560x256xf32>
    %get3A_16 = arith.constant 0 : index
    %get3A_17 = arith.constant 0 : index
    %get3A_18 = vector.load %arg5[%get3A_16, %get3A_17] : memref<256x256xf32, #tpu.memory_space<vmem>>, vector<256x256xf32>
    %dot_general3A_19 = arith.constant dense<0.000000e+00> : vector<2560x256xf32>
    %dot_general3A_20 = tpu.matmul %convert_element_type3A_15, %get3A_18, %dot_general3A_19 {dimension_numbers = #tpu.dot_dimension_numbers<[1], [0], [0], [1], [0, 0, 1, 1], [], []>, transpose_lhs_hint = false} : vector<2560x256xf32>, vector<256x256xf32>, vector<2560x256xf32> -> vector<2560x256xf32>
    %slice3A = vector.extract_strided_slice %dot_general3A_20 {offsets = [0, 0], sizes = [2560, 128], strides = [1, 1]} : vector<2560x256xf32> to vector<2560x128xf32>
    %mul3A = arith.mulf %add3A, %slice3A : vector<2560x128xf32>
    %slice3A_21 = vector.extract_strided_slice %dot_general3A_20 {offsets = [0, 128], sizes = [2560, 128], strides = [1, 1]} : vector<2560x256xf32> to vector<2560x128xf32>
    %add3A_22 = arith.addf %mul3A, %slice3A_21 : vector<2560x128xf32>
    %slice3A_23 = vector.extract_strided_slice %add3A_22 {offsets = [0, 0], sizes = [2560, 64], strides = [1, 1]} : vector<2560x128xf32> to vector<2560x64xf32>
    %max3A = arith.constant 0.000000e+00 : f32
    %max3A_24 = vector.broadcast %max3A : f32 to vector<2560x64xf32>
    %max3A_25 = arith.maximumf %slice3A_23, %max3A_24 : vector<2560x64xf32>
    %slice3A_26 = vector.extract_strided_slice %add3A_22 {offsets = [0, 64], sizes = [2560, 64], strides = [1, 1]} : vector<2560x128xf32> to vector<2560x64xf32>
    %get3A_27 = arith.constant 0 : index
    %get3A_28 = arith.constant 0 : index
    %get3A_29 = vector.load %arg6[%get3A_27, %get3A_28] : memref<64x64xf32, #tpu.memory_space<vmem>>, vector<64x64xf32>
    %dot_general3A_30 = arith.constant dense<0.000000e+00> : vector<2560x64xf32>
    %dot_general3A_31 = tpu.matmul %slice3A_26, %get3A_29, %dot_general3A_30 {dimension_numbers = #tpu.dot_dimension_numbers<[1], [0], [0], [1], [0, 0, 1, 1], [], []>, transpose_lhs_hint = false} : vector<2560x64xf32>, vector<64x64xf32>, vector<2560x64xf32> -> vector<2560x64xf32>
    %tanh3A = math.tanh %dot_general3A_31 : vector<2560x64xf32>
    %mul3A_32 = arith.mulf %tanh3A, %max3A_25 : vector<2560x64xf32>
    %get3A_33 = arith.constant 0 : index
    %get3A_34 = arith.constant 0 : index
    %get3A_35 = vector.load %arg7[%get3A_33, %get3A_34] : memref<64x64xf32, #tpu.memory_space<vmem>>, vector<64x64xf32>
    %dot_general3A_36 = arith.constant dense<0.000000e+00> : vector<64x2560xf32>
    %dot_general3A_37 = tpu.matmul %get3A_35, %mul3A_32, %dot_general3A_36 {dimension_numbers = #tpu.dot_dimension_numbers<[1], [1], [0], [0], [0, 0, 1, 0], [], []>, transpose_lhs_hint = false} : vector<64x64xf32>, vector<2560x64xf32>, vector<64x2560xf32> -> vector<64x2560xf32>
    %swap3A = arith.constant 0 : index
    %swap3A_38 = arith.constant 0 : index
    %swap3A_39 = vector.load %arg8[%swap3A, %swap3A_38] : memref<64x2560xf32, #tpu.memory_space<vmem>>, vector<64x2560xf32>
    tpu.vector_store %arg8[%swap3A, %swap3A_38], %dot_general3A_37 {strides = array<i32>} : memref<64x2560xf32, #tpu.memory_space<vmem>>, vector<64x2560xf32>,
    %iota3A_40 = tpu.iota {dimensions = array<i32: 0>} : vector<256x2560xi32>
    %broadcast_in_dim3A_41 = vector.shape_cast %get3A_13 : vector<2560xi32> to vector<1x2560xi32>
    %eq3A_42 = vector.broadcast %broadcast_in_dim3A_41 : vector<1x2560xi32> to vector<256x2560xi32>
    %eq3A_43 = arith.cmpi eq, %iota3A_40, %eq3A_42 : vector<256x2560xi32>
    %convert_element_type3A_44 = arith.extui %eq3A_43 : vector<256x2560xi1> to vector<256x2560xi32>
    %convert_element_type3A_45 = arith.sitofp %convert_element_type3A_44 : vector<256x2560xi32> to vector<256x2560xf32>
    %eq3A_46 = arith.constant 0 : i32
    %eq3A_47 = arith.cmpi eq, %arg0, %eq3A_46 : i32
    %convert_element_type3A_48 = arith.extui %eq3A_47 : i1 to i32
    %cond3A = arith.constant 0 : i32
    %cond3A_49 = arith.cmpi ne, %convert_element_type3A_48, %cond3A : i32
    scf.if %cond3A_49 {
      %broadcast_in_dim3A_69 = arith.constant 0.000000e+00 : f32
      %broadcast_in_dim3A_70 = vector.broadcast %broadcast_in_dim3A_69 : f32 to vector<256x128xf32>
      %swap3A_71 = arith.constant 0 : index
      %swap3A_72 = arith.constant 0 : index
      %swap3A_73 = vector.load %arg9[%swap3A_71, %swap3A_72] : memref<256x128xf32, #tpu.memory_space<vmem>>, vector<256x128xf32>
      tpu.vector_store %arg9[%swap3A_71, %swap3A_72], %broadcast_in_dim3A_70 {strides = array<i32>} : memref<256x128xf32, #tpu.memory_space<vmem>>, vector<256x128xf32>,
    } else {
    }
    %get3A_50 = arith.constant 0 : index
    %get3A_51 = arith.constant 0 : index
    %get3A_52 = vector.load %arg9[%get3A_50, %get3A_51] : memref<256x128xf32, #tpu.memory_space<vmem>>, vector<256x64xf32>
    %dot_general3A_53 = arith.constant dense<0.000000e+00> : vector<256x64xf32>
    %dot_general3A_54 = tpu.matmul %convert_element_type3A_45, %mul3A_32, %dot_general3A_53 {dimension_numbers = #tpu.dot_dimension_numbers<[1], [0], [0], [1], [0, 0, 1, 1], [], []>, transpose_lhs_hint = false} : vector<256x2560xf32>, vector<2560x64xf32>, vector<256x64xf32> -> vector<256x64xf32>
    %add3A_55 = arith.addf %get3A_52, %dot_general3A_54 : vector<256x64xf32>
    %swap3A_56 = arith.constant 0 : index
    %swap3A_57 = arith.constant 0 : index
    %swap3A_58 = vector.load %arg9[%swap3A_56, %swap3A_57] : memref<256x128xf32, #tpu.memory_space<vmem>>, vector<256x64xf32>
    tpu.vector_store %arg9[%swap3A_56, %swap3A_57], %add3A_55 {strides = array<i32>} : memref<256x128xf32, #tpu.memory_space<vmem>>, vector<256x64xf32>,
    %get3A_59 = arith.constant 0 : index
    %get3A_60 = arith.constant 64 : index
    %get3A_61 = vector.load %arg9[%get3A_59, %get3A_60] : memref<256x128xf32, #tpu.memory_space<vmem>>, vector<256x64xf32>
    %mul3A_62 = arith.mulf %mul3A_32, %mul3A_32 : vector<2560x64xf32>
    %dot_general3A_63 = arith.constant dense<0.000000e+00> : vector<256x64xf32>
    %dot_general3A_64 = tpu.matmul %convert_element_type3A_45, %mul3A_62, %dot_general3A_63 {dimension_numbers = #tpu.dot_dimension_numbers<[1], [0], [0], [1], [0, 0, 1, 1], [], []>, transpose_lhs_hint = false} : vector<256x2560xf32>, vector<2560x64xf32>, vector<256x64xf32> -> vector<256x64xf32>
    %add3A_65 = arith.addf %get3A_61, %dot_general3A_64 : vector<256x64xf32>
    %swap3A_66 = arith.constant 0 : index
    %swap3A_67 = arith.constant 64 : index
    %swap3A_68 = vector.load %arg9[%swap3A_66, %swap3A_67] : memref<256x128xf32, #tpu.memory_space<vmem>>, vector<256x64xf32>
    tpu.vector_store %arg9[%swap3A_66, %swap3A_67], %add3A_65 {strides = array<i32>} : memref<256x128xf32, #tpu.memory_space<vmem>>, vector<256x64xf32>,
    return
  }
  func.func @transform_0(%arg0: i32) -> (i32, i32) {
    %c0_i32 = arith.constant 0 : i32
    %c0_i32_0 = arith.constant 0 : i32
    return %c0_i32, %arg0 : i32, i32
  }
  func.func @transform_1(%arg0: i32) -> (i32, i32) {
    %c0_i32 = arith.constant 0 : i32
    %c0_i32_0 = arith.constant 0 : i32
    return %arg0, %c0_i32 : i32, i32
  }
  func.func @transform_2(%arg0: i32) -> (i32, i32) {
    %c0_i32 = arith.constant 0 : i32
    %c0_i32_0 = arith.constant 0 : i32
    %c0_i32_1 = arith.constant 0 : i32
    return %c0_i32, %c0_i32_0 : i32, i32
  }
  func.func @transform_3(%arg0: i32) -> (i32, i32, i32) {
    %c0_i32 = arith.constant 0 : i32
    %c0_i32_0 = arith.constant 0 : i32
    %c0_i32_1 = arith.constant 0 : i32
    return %arg0, %c0_i32, %c0_i32_0 : i32, i32, i32
  }
  func.func @transform_4(%arg0: i32) -> (i32, i32) {
    %c0_i32 = arith.constant 0 : i32
    %c0_i32_0 = arith.constant 0 : i32
    %c0_i32_1 = arith.constant 0 : i32
    return %c0_i32, %c0_i32_0 : i32, i32
  }
  func.func @transform_5(%arg0: i32) -> (i32, i32) {
    %c0_i32 = arith.constant 0 : i32
    %c0_i32_0 = arith.constant 0 : i32
    %c0_i32_1 = arith.constant 0 : i32
    return %c0_i32, %c0_i32_0 : i32, i32
  }
  func.func @transform_6(%arg0: i32) -> (i32, i32) {
    %c0_i32 = arith.constant 0 : i32
    %c0_i32_0 = arith.constant 0 : i32
    %c0_i32_1 = arith.constant 0 : i32
    return %c0_i32, %c0_i32_0 : i32, i32
  }
  func.func @transform_7(%arg0: i32) -> (i32, i32) {
    %c0_i32 = arith.constant 0 : i32
    %c0_i32_0 = arith.constant 0 : i32
    return %c0_i32, %arg0 : i32, i32
  }
  func.func @transform_8(%arg0: i32) -> (i32, i32) {
    %c0_i32 = arith.constant 0 : i32
    %c0_i32_0 = arith.constant 0 : i32
    %c0_i32_1 = arith.constant 0 : i32
    return %c0_i32, %c0_i32_0 : i32, i32
  }
}

module attributes {stable_mosaic.version = 14 : i64} {
  func.func @_p3_body(%arg0: i32, %arg1: memref<64x2560xf32, #tpu.memory_space<vmem>>, %arg2: memref<64x2560xf32, #tpu.memory_space<vmem>>, %arg3: memref<1x1x2560xi32, #tpu.memory_space<vmem>>, %arg4: memref<256x128xf32, #tpu.memory_space<vmem>>, %arg5: memref<64x128xf32, #tpu.memory_space<vmem>>, %arg6: memref<128x1xf32, #tpu.memory_space<vmem>>, %arg7: memref<128x64xf32, #tpu.memory_space<vmem>>, %arg8: memref<64x1xf32, #tpu.memory_space<vmem>>, %arg9: memref<64x128xf32, #tpu.memory_space<vmem>>, %arg10: memref<128x1xf32, #tpu.memory_space<vmem>>, %arg11: memref<128x64xf32, #tpu.memory_space<vmem>>, %arg12: memref<64x1xf32, #tpu.memory_space<vmem>>, %arg13: memref<64x2560xf32, #tpu.memory_space<vmem>>) attributes {dimension_semantics = [#tpu.dimension_semantics<arbitrary>], iteration_bounds = array<i64: 125>, scalar_prefetch = 0 : i64, scratch_operands = 0 : i64, tpu.core_type = #tpu.core_type<tc>, window_params = [{transform_indices = @transform_0, window_bounds = array<i64: 64, 2560>}, {transform_indices = @transform_1, window_bounds = array<i64: 64, 2560>}, {transform_indices = @transform_2, window_bounds = array<i64: 1, 1, 2560>}, {pipeline_mode = #tpu.pipeline_mode<synchronous>, transform_indices = @transform_3, window_bounds = array<i64: 256, 128>}, {pipeline_mode = #tpu.pipeline_mode<synchronous>, transform_indices = @transform_4, window_bounds = array<i64: 64, 128>}, {pipeline_mode = #tpu.pipeline_mode<synchronous>, transform_indices = @transform_5, window_bounds = array<i64: 128, 1>}, {pipeline_mode = #tpu.pipeline_mode<synchronous>, transform_indices = @transform_6, window_bounds = array<i64: 128, 64>}, {pipeline_mode = #tpu.pipeline_mode<synchronous>, transform_indices = @transform_7, window_bounds = array<i64: 64, 1>}, {pipeline_mode = #tpu.pipeline_mode<synchronous>, transform_indices = @transform_8, window_bounds = array<i64: 64, 128>}, {pipeline_mode = #tpu.pipeline_mode<synchronous>, transform_indices = @transform_9, window_bounds = array<i64: 128, 1>}, {pipeline_mode = #tpu.pipeline_mode<synchronous>, transform_indices = @transform_10, window_bounds = array<i64: 128, 64>}, {pipeline_mode = #tpu.pipeline_mode<synchronous>, transform_indices = @transform_11, window_bounds = array<i64: 64, 1>}, {transform_indices = @transform_12, window_bounds = array<i64: 64, 2560>}]} {
    %get3A = arith.constant 0 : index
    %get3A_0 = arith.constant 0 : index
    %get3A_1 = arith.constant 0 : index
    %get3A_2 = vector.load %arg3[%get3A, %get3A_0, %get3A_1] : memref<1x1x2560xi32, #tpu.memory_space<vmem>>, vector<1x1x2560xi32>
    %get3A_3 = vector.shape_cast %get3A_2 : vector<1x1x2560xi32> to vector<2560xi32>
    %iota3A = tpu.iota {dimensions = array<i32: 0>} : vector<256x2560xi32>
    %broadcast_in_dim3A = vector.shape_cast %get3A_3 : vector<2560xi32> to vector<1x2560xi32>
    %eq3A = vector.broadcast %broadcast_in_dim3A : vector<1x2560xi32> to vector<256x2560xi32>
    %eq3A_4 = arith.cmpi eq, %iota3A, %eq3A : vector<256x2560xi32>
    %convert_element_type3A = arith.extui %eq3A_4 : vector<256x2560xi1> to vector<256x2560xi32>
    %convert_element_type3A_5 = arith.sitofp %convert_element_type3A : vector<256x2560xi32> to vector<256x2560xf32>
    %get3A_6 = arith.constant 0 : index
    %get3A_7 = arith.constant 0 : index
    %get3A_8 = vector.load %arg4[%get3A_6, %get3A_7] : memref<256x128xf32, #tpu.memory_space<vmem>>, vector<256x128xf32>
    %dot_general3A = arith.constant dense<0.000000e+00> : vector<128x2560xf32>
    %dot_general3A_9 = tpu.matmul %get3A_8, %convert_element_type3A_5, %dot_general3A {dimension_numbers = #tpu.dot_dimension_numbers<[0], [0], [1], [1], [0, 1, 1, 1], [], []>, transpose_lhs_hint = false} : vector<256x128xf32>, vector<256x2560xf32>, vector<128x2560xf32> -> vector<128x2560xf32>
    %get3A_10 = arith.constant 0 : index
    %get3A_11 = arith.constant 0 : index
    %get3A_12 = vector.load %arg1[%get3A_10, %get3A_11] : memref<64x2560xf32, #tpu.memory_space<vmem>>, vector<64x2560xf32>
    %slice3A = vector.extract_strided_slice %dot_general3A_9 {offsets = [0, 0], sizes = [64, 2560], strides = [1, 1]} : vector<128x2560xf32> to vector<64x2560xf32>
    %mul3A = arith.mulf %get3A_12, %slice3A : vector<64x2560xf32>
    %slice3A_13 = vector.extract_strided_slice %dot_general3A_9 {offsets = [64, 0], sizes = [64, 2560], strides = [1, 1]} : vector<128x2560xf32> to vector<64x2560xf32>
    %add3A = arith.addf %mul3A, %slice3A_13 : vector<64x2560xf32>
    %get3A_14 = arith.constant 0 : index
    %get3A_15 = arith.constant 0 : index
    %get3A_16 = vector.load %arg5[%get3A_14, %get3A_15] : memref<64x128xf32, #tpu.memory_space<vmem>>, vector<64x128xf32>
    %dot_general3A_17 = arith.constant dense<0.000000e+00> : vector<128x2560xf32>
    %dot_general3A_18 = tpu.matmul %get3A_16, %add3A, %dot_general3A_17 {dimension_numbers = #tpu.dot_dimension_numbers<[0], [0], [1], [1], [0, 1, 1, 1], [], []>, transpose_lhs_hint = false} : vector<64x128xf32>, vector<64x2560xf32>, vector<128x2560xf32> -> vector<128x2560xf32>
    %get3A_19 = arith.constant 0 : index
    %get3A_20 = arith.constant 0 : index
    %get3A_21 = vector.load %arg6[%get3A_19, %get3A_20] : memref<128x1xf32, #tpu.memory_space<vmem>>, vector<128x1xf32>
    %add3A_22 = vector.broadcast %get3A_21 : vector<128x1xf32> to vector<128x2560xf32>
    %add3A_23 = arith.addf %dot_general3A_18, %add3A_22 : vector<128x2560xf32>
    %max3A = arith.constant 0.000000e+00 : f32
    %max3A_24 = vector.broadcast %max3A : f32 to vector<128x2560xf32>
    %max3A_25 = arith.maximumf %add3A_23, %max3A_24 : vector<128x2560xf32>
    %get3A_26 = arith.constant 0 : index
    %get3A_27 = arith.constant 0 : index
    %get3A_28 = vector.load %arg7[%get3A_26, %get3A_27] : memref<128x64xf32, #tpu.memory_space<vmem>>, vector<128x64xf32>
    %dot_general3A_29 = arith.constant dense<0.000000e+00> : vector<64x2560xf32>
    %dot_general3A_30 = tpu.matmul %get3A_28, %max3A_25, %dot_general3A_29 {dimension_numbers = #tpu.dot_dimension_numbers<[0], [0], [1], [1], [0, 1, 1, 1], [], []>, transpose_lhs_hint = false} : vector<128x64xf32>, vector<128x2560xf32>, vector<64x2560xf32> -> vector<64x2560xf32>
    %get3A_31 = arith.constant 0 : index
    %get3A_32 = arith.constant 0 : index
    %get3A_33 = vector.load %arg8[%get3A_31, %get3A_32] : memref<64x1xf32, #tpu.memory_space<vmem>>, vector<64x1xf32>
    %add3A_34 = vector.broadcast %get3A_33 : vector<64x1xf32> to vector<64x2560xf32>
    %add3A_35 = arith.addf %dot_general3A_30, %add3A_34 : vector<64x2560xf32>
    %max3A_36 = arith.constant 0.000000e+00 : f32
    %max3A_37 = vector.broadcast %max3A_36 : f32 to vector<64x2560xf32>
    %max3A_38 = arith.maximumf %add3A_35, %max3A_37 : vector<64x2560xf32>
    %add3A_39 = arith.addf %add3A, %max3A_38 : vector<64x2560xf32>
    %get3A_40 = arith.constant 0 : index
    %get3A_41 = arith.constant 0 : index
    %get3A_42 = vector.load %arg9[%get3A_40, %get3A_41] : memref<64x128xf32, #tpu.memory_space<vmem>>, vector<64x128xf32>
    %dot_general3A_43 = arith.constant dense<0.000000e+00> : vector<128x2560xf32>
    %dot_general3A_44 = tpu.matmul %get3A_42, %add3A_39, %dot_general3A_43 {dimension_numbers = #tpu.dot_dimension_numbers<[0], [0], [1], [1], [0, 1, 1, 1], [], []>, transpose_lhs_hint = false} : vector<64x128xf32>, vector<64x2560xf32>, vector<128x2560xf32> -> vector<128x2560xf32>
    %get3A_45 = arith.constant 0 : index
    %get3A_46 = arith.constant 0 : index
    %get3A_47 = vector.load %arg10[%get3A_45, %get3A_46] : memref<128x1xf32, #tpu.memory_space<vmem>>, vector<128x1xf32>
    %add3A_48 = vector.broadcast %get3A_47 : vector<128x1xf32> to vector<128x2560xf32>
    %add3A_49 = arith.addf %dot_general3A_44, %add3A_48 : vector<128x2560xf32>
    %max3A_50 = arith.constant 0.000000e+00 : f32
    %max3A_51 = vector.broadcast %max3A_50 : f32 to vector<128x2560xf32>
    %max3A_52 = arith.maximumf %add3A_49, %max3A_51 : vector<128x2560xf32>
    %get3A_53 = arith.constant 0 : index
    %get3A_54 = arith.constant 0 : index
    %get3A_55 = vector.load %arg11[%get3A_53, %get3A_54] : memref<128x64xf32, #tpu.memory_space<vmem>>, vector<128x64xf32>
    %dot_general3A_56 = arith.constant dense<0.000000e+00> : vector<64x2560xf32>
    %dot_general3A_57 = tpu.matmul %get3A_55, %max3A_52, %dot_general3A_56 {dimension_numbers = #tpu.dot_dimension_numbers<[0], [0], [1], [1], [0, 1, 1, 1], [], []>, transpose_lhs_hint = false} : vector<128x64xf32>, vector<128x2560xf32>, vector<64x2560xf32> -> vector<64x2560xf32>
    %get3A_58 = arith.constant 0 : index
    %get3A_59 = arith.constant 0 : index
    %get3A_60 = vector.load %arg12[%get3A_58, %get3A_59] : memref<64x1xf32, #tpu.memory_space<vmem>>, vector<64x1xf32>
    %add3A_61 = vector.broadcast %get3A_60 : vector<64x1xf32> to vector<64x2560xf32>
    %add3A_62 = arith.addf %dot_general3A_57, %add3A_61 : vector<64x2560xf32>
    %max3A_63 = arith.constant 0.000000e+00 : f32
    %max3A_64 = vector.broadcast %max3A_63 : f32 to vector<64x2560xf32>
    %max3A_65 = arith.maximumf %add3A_62, %max3A_64 : vector<64x2560xf32>
    %add3A_66 = arith.addf %add3A_39, %max3A_65 : vector<64x2560xf32>
    %get3A_67 = arith.constant 0 : index
    %get3A_68 = arith.constant 0 : index
    %get3A_69 = vector.load %arg2[%get3A_67, %get3A_68] : memref<64x2560xf32, #tpu.memory_space<vmem>>, vector<64x2560xf32>
    %add3A_70 = arith.addf %get3A_69, %add3A_66 : vector<64x2560xf32>
    %max3A_71 = arith.constant 0.000000e+00 : f32
    %max3A_72 = vector.broadcast %max3A_71 : f32 to vector<64x2560xf32>
    %max3A_73 = arith.maximumf %add3A_70, %max3A_72 : vector<64x2560xf32>
    %mul3A_74 = arith.constant 0.707106769 : f32
    %mul3A_75 = vector.broadcast %mul3A_74 : f32 to vector<64x2560xf32>
    %mul3A_76 = arith.mulf %mul3A_75, %max3A_73 : vector<64x2560xf32>
    %swap3A = arith.constant 0 : index
    %swap3A_77 = arith.constant 0 : index
    %swap3A_78 = vector.load %arg13[%swap3A, %swap3A_77] : memref<64x2560xf32, #tpu.memory_space<vmem>>, vector<64x2560xf32>
    tpu.vector_store %arg13[%swap3A, %swap3A_77], %mul3A_76 {strides = array<i32>} : memref<64x2560xf32, #tpu.memory_space<vmem>>, vector<64x2560xf32>,
    return
  }
  func.func @transform_0(%arg0: i32) -> (i32, i32) {
    %c0_i32 = arith.constant 0 : i32
    %c0_i32_0 = arith.constant 0 : i32
    return %c0_i32, %arg0 : i32, i32
  }
  func.func @transform_1(%arg0: i32) -> (i32, i32) {
    %c0_i32 = arith.constant 0 : i32
    %c0_i32_0 = arith.constant 0 : i32
    return %c0_i32, %arg0 : i32, i32
  }
  func.func @transform_2(%arg0: i32) -> (i32, i32, i32) {
    %c0_i32 = arith.constant 0 : i32
    %c0_i32_0 = arith.constant 0 : i32
    %c0_i32_1 = arith.constant 0 : i32
    return %arg0, %c0_i32, %c0_i32_0 : i32, i32, i32
  }
  func.func @transform_3(%arg0: i32) -> (i32, i32) {
    %c0_i32 = arith.constant 0 : i32
    %c0_i32_0 = arith.constant 0 : i32
    %c0_i32_1 = arith.constant 0 : i32
    return %c0_i32, %c0_i32_0 : i32, i32
  }
  func.func @transform_4(%arg0: i32) -> (i32, i32) {
    %c0_i32 = arith.constant 0 : i32
    %c0_i32_0 = arith.constant 0 : i32
    %c0_i32_1 = arith.constant 0 : i32
    return %c0_i32, %c0_i32_0 : i32, i32
  }
  func.func @transform_5(%arg0: i32) -> (i32, i32) {
    %c0_i32 = arith.constant 0 : i32
    %c0_i32_0 = arith.constant 0 : i32
    %c0_i32_1 = arith.constant 0 : i32
    return %c0_i32, %c0_i32_0 : i32, i32
  }
  func.func @transform_6(%arg0: i32) -> (i32, i32) {
    %c0_i32 = arith.constant 0 : i32
    %c0_i32_0 = arith.constant 0 : i32
    %c0_i32_1 = arith.constant 0 : i32
    return %c0_i32, %c0_i32_0 : i32, i32
  }
  func.func @transform_7(%arg0: i32) -> (i32, i32) {
    %c0_i32 = arith.constant 0 : i32
    %c0_i32_0 = arith.constant 0 : i32
    %c0_i32_1 = arith.constant 0 : i32
    return %c0_i32, %c0_i32_0 : i32, i32
  }
  func.func @transform_8(%arg0: i32) -> (i32, i32) {
    %c0_i32 = arith.constant 0 : i32
    %c0_i32_0 = arith.constant 0 : i32
    %c0_i32_1 = arith.constant 0 : i32
    return %c0_i32, %c0_i32_0 : i32, i32
  }
  func.func @transform_9(%arg0: i32) -> (i32, i32) {
    %c0_i32 = arith.constant 0 : i32
    %c0_i32_0 = arith.constant 0 : i32
    %c0_i32_1 = arith.constant 0 : i32
    return %c0_i32, %c0_i32_0 : i32, i32
  }
  func.func @transform_10(%arg0: i32) -> (i32, i32) {
    %c0_i32 = arith.constant 0 : i32
    %c0_i32_0 = arith.constant 0 : i32
    %c0_i32_1 = arith.constant 0 : i32
    return %c0_i32, %c0_i32_0 : i32, i32
  }
  func.func @transform_11(%arg0: i32) -> (i32, i32) {
    %c0_i32 = arith.constant 0 : i32
    %c0_i32_0 = arith.constant 0 : i32
    %c0_i32_1 = arith.constant 0 : i32
    return %c0_i32, %c0_i32_0 : i32, i32
  }
  func.func @transform_12(%arg0: i32) -> (i32, i32) {
    %c0_i32 = arith.constant 0 : i32
    %c0_i32_0 = arith.constant 0 : i32
    return %c0_i32, %arg0 : i32, i32
  }
}

</mosaic_0001>

<sc_bundles>
// kernel: kernel.7.cloned.1.call-start
scs
__scs_entry_jumppad:
0x0: {  	(pc) =	sbr.rel $0x88, $3  }
0x1: {  	(tag) =	ssettag $0x0;
	lr =	simm.s32 $0x1  }
0x2: {  	[smem:$0x3F8F] =	sst lr;
	_ =	strace $0xD0000000  }
0x3: {  	_ = 	snop  }
0x4: {  	_ = 	snop  }
0x5: {  	_ = 	snop  }
0x6: {  	_ = 	snop  }
0x7: {  	_ = 	snop  }
__scs_overlays_trampoline_lowered:
0x8: {  	[smem:$0x3F9E] =	sst s0  }
0x9: {  	[smem:$0x3F9F] =	sst s1  }
0xa: {  	[smem:$0x3FA0] =	sst s2  }
0xb: {  	[smem:$0x3FA1] =	sst s3  }
0xc: {  	[smem:$0x3FA2] =	sst s4  }
0xd: {  	[smem:$0x3FA3] =	sst s5  }
0xe: {  	[smem:$0x3FA4] =	sst s6  }
0xf: {  	[smem:$0x3FA5] =	sst s7  }
0x10: {  	[smem:$0x3FA6] =	sst s8  }
0x11: {  	[smem:$0x3FA7] =	sst s9;
	s0 =	simm.s32 @!p0 $0x0  }
0x12: {  	s1 =	sld [smem:$0x3F8D];
	s0 =	simm.s32 @p0 $0x1  }
0x13: {  	[smem:$0x3FA8] =	sst s0;
	s0 =	simm.s32 @!p1 $0x0  }
0x14: {  	s2 =	sld [smem:$0x3F8C];
	s0 =	simm.s32 @p1 $0x1  }
0x15: {  	[smem:$0x3FA9] =	sst s0;
	s0 =	simm.s32 @!p2 $0x0  }
0x16: {  	s3 =	sld [smem:$0x3FDB];
	s0 =	simm.s32 @p2 $0x1  }
0x17: {  	s4 =	simm.s32 $0x1BF5;
	[smem:$0x3FAB] =	sst s0  }
0x18: {  	s0 =	sld [smem:$0x3F8E];
	_ =	swait.ge [sflag:s4], $0x0  }
0x19: {  	s7 =	sld [smem:$0x3F8F]  }
0x1a: {  	s8 =	sadd.s32 $0xFFFFE003, lr  }
0x1b: {  	s9 =	sadd.s32 $0xFFFFFEF7, lr;
	s5 =	simm.s32 $0xFFFFFFFF;
	p2 =	slt.u32 s8, $0xFFFFF086  }
0x1c: {  	p1 =	slt.u32 s9, $0xF7A;
	s5 =	simm.s32 @!p2 $0x0  }
0x1d: {  	s5 =	simm.s32 @p1 $0x1;
	p0 =	seq.s32 s7, s2  }
0x1e: {  	s7 =	smul.u32 @!p0 $0xF7A, s2;
	p2 =	seq.s32 @!p0 s5, $0x0  }
0x1f: {  	s9 =	smul.u32 $0xF7A, s1;
	s8 =	simm.s32 @!p0 $0x1BF5;
	p2 =	por !p2, p0  }
0x20: {  	[sflag:s8] =	ssyncset.s32 @!p0 $0xFFFFF086;
	s6 =	sadd.s32 @!p0 s3, s7;
	s7 =	simm.s32 @!p0 $0x108  }
0x21: {  	s3 =	sadd.s32 s3, s9;
	s6 =	sadd.s32 @!p0 $0x88, s6;
	s7 =	simm.s32 @p2 $0x1082  }
0x22: {  	[simem:s7], [sflag:s8] =	dma.local @!p0 [hbm:s6], $0xF7A  }
0x23: {  	s9 =	sor.u32 $0xD0000000, s2;
	s6 =	simm.s32 $0x108;
	_ =	swait.ge @!p0 [sflag:s8], $0x0  }
0x24: {  	s3 =	sadd.s32 $0x88, s3;
	s6 =	simm.s32 @!p1 $0x1082;
	[sflag:s4] =	ssyncset.s32 $0xFFFFF086  }
0x25: {  	[simem:s6], [sflag:s4] =	dma.local [hbm:s3], $0xF7A  }
0x26: {  	[smem:$0x3F8F] =	sst s1;
	(tag) =	ssettag s2;
	_ =	strace s9  }
0x27: {  	s1 =	sld [smem:$0x3F9F]  }
0x28: {  	s2 =	sld [smem:$0x3FA0]  }
0x29: {  	s4 =	sld [smem:$0x3FA2]  }
0x2a: {  	p0 =	seq.s32 s5, $0x0;
	s5 =	sld [smem:$0x3FA3]  }
0x2b: {  	s6 =	sld [smem:$0x3FA4]  }
0x2c: {  	s7 =	sld [smem:$0x3FA5]  }
0x2d: {  	s3 =	simm.s32 $0x108;
	s8 =	sld [smem:$0x3FA6]  }
0x2e: {  	s3 =	simm.s32 @!p0 $0x1082;
	s9 =	sld [smem:$0x3FA7]  }
0x2f: {  	lr =	sadd.s32 s0, s3;
	s0 =	sld [smem:$0x3F9E]  }
0x30: {  	s3 =	sld [smem:$0x3FA1]  }
0x31: {  	[smem:$0x3FAA] =	sst s10  }
0x32: {  	s10 =	sld [smem:$0x3FA8];
	_ =	sdelay $0x3  }
0x33: {  	p0 =	seq.s32 s10, $0x1;
	s10 =	sld [smem:$0x3FAA];
	_ =	sdelay $0x3  }
0x34: {  	[smem:$0x3FAA] =	sst s10  }
0x35: {  	s10 =	sld [smem:$0x3FA9];
	_ =	sdelay $0x3  }
0x36: {  	p1 =	seq.s32 s10, $0x1;
	s10 =	sld [smem:$0x3FAA];
	_ =	sdelay $0x3  }
0x37: {  	[smem:$0x3FAA] =	sst s10  }
0x38: {  	s10 =	sld [smem:$0x3FAB]  }
0x39: {  	_ = 	snop;
	(pc) =	sbr.ind lr, $3  }
0x3a: {  	_ = 	snop  }
0x3b: {  	_ = 	snop  }
0x3c: {  	p2 =	seq.s32 s10, $0x1;
	s10 =	sld [smem:$0x3FAA]  }
0x3d: {  	_ =	shalt  }
0x3e: {  	_ =	shalt  }
0x3f: {  	_ =	shalt  }
0x40: {  	_ =	shalt  }
0x41: {  	_ =	shalt  }
0x42: {  	_ =	shalt  }
0x43: {  	_ =	shalt  }
0x44: {  	_ =	shalt  }
0x45: {  	_ =	shalt  }
0x46: {  	_ =	shalt  }
0x47: {  	_ =	shalt  }
0x48: {  	_ =	shalt  }
0x49: {  	_ =	shalt  }
0x4a: {  	_ =	shalt  }
0x4b: {  	_ =	shalt  }
0x4c: {  	_ =	shalt  }
0x4d: {  	_ =	shalt  }
0x4e: {  	_ =	shalt  }
0x4f: {  	_ =	shalt  }
0x50: {  	_ =	shalt  }
0x51: {  	_ =	shalt  }
0x52: {  	_ =	shalt  }
0x53: {  	_ =	shalt  }
0x54: {  	_ =	shalt  }
0x55: {  	_ =	shalt  }
0x56: {  	_ =	shalt  }
0x57: {  	_ =	shalt  }
0x58: {  	_ =	shalt  }
0x59: {  	_ =	shalt  }
0x5a: {  	_ =	shalt  }
0x5b: {  	_ =	shalt  }
0x5c: {  	_ =	shalt  }
0x5d: {  	_ =	shalt  }
0x5e: {  	_ =	shalt  }
0x5f: {  	_ =	shalt  }
0x60: {  	_ =	shalt  }
0x61: {  	_ =	shalt  }
0x62: {  	_ =	shalt  }
0x63: {  	_ =	shalt  }
0x64: {  	_ =	shalt  }
0x65: {  	_ =	shalt  }
0x66: {  	_ =	shalt  }
0x67: {  	_ =	shalt  }
0x68: {  	_ =	shalt  }
0x69: {  	_ =	shalt  }
0x6a: {  	_ =	shalt  }
0x6b: {  	_ =	shalt  }
0x6c: {  	_ =	shalt  }
0x6d: {  	_ =	shalt  }
0x6e: {  	_ =	shalt  }
0x6f: {  	_ =	shalt  }
0x70: {  	_ =	shalt  }
0x71: {  	_ =	shalt  }
0x72: {  	_ =	shalt  }
0x73: {  	_ =	shalt  }
0x74: {  	_ =	shalt  }
0x75: {  	_ =	shalt  }
0x76: {  	_ =	shalt  }
0x77: {  	_ =	shalt  }
0x78: {  	_ =	shalt  }
0x79: {  	_ =	shalt  }
0x7a: {  	_ =	shalt  }
0x7b: {  	_ =	shalt  }
0x7c: {  	_ =	shalt  }
0x7d: {  	_ =	shalt  }
0x7e: {  	_ =	shalt  }
0x7f: {  	_ =	shalt  }
0x80: {  	_ =	shalt  }
0x81: {  	_ =	shalt  }
0x82: {  	_ =	shalt  }
0x83: {  	_ =	shalt  }
0x84: {  	_ =	shalt  }
0x85: {  	_ =	shalt  }
0x86: {  	_ =	shalt  }
0x87: {  	_ =	shalt  }
.Lfunc_end0:
.L_simem_size_0:
called_computation_lowered:
.L_overlay_start_0:
0x88: {  	s2 =	sld [smem:$0x3FD9]  }
0x89: {  	s3 =	sld [smem:$0x3FFE];
	_ =	sdelay $0x1  }
0x8a: {  	s1 =	srdreg.scid  }
0x8b: {  	s0 =	sand.u32 $0x1, s1  }
0x8c: {  	s17 =	sshll.u32 s0, $0xA;
	s2 =	sadd.s32 s3, s2  }
0x8d: {  	s2 =	sadd.s32 s2, s17  }
0x8e: {  	[smem:$0x3FB6] =	sst s2  }
0x8f: {  	_ = 	snop  }
0x90: {  	s2 =	sld [smem:$0x3FD0];
	(tm) =	ssettm $0x1  }
0x91: {  	s18 =	sld [smem:$0x3FFB];
	_ =	sdelay $0x3  }
0x92: {  	_ =	strace s18  }
0x93: {  	s3 =	sld [smem:$0x3FFC];
	_ =	sdelay $0x3  }
0x94: {  	_ =	strace s3  }
0x95: {  	s3 =	sld [smem:$0x3FFD];
	_ =	sdelay $0x3  }
0x96: {  	_ =	strace s3  }
0x97: {  	_ =	strace $0x8FFFFFFF  }
0x98: {  	s19 =	sld [smem:$0x3FDB];
	_ =	sdelay $0x1  }
0x99: {  	s4 =	simm.s32 $_scs_section_size  }
0x9a: {  	s5 =	simm.s32 $_size__tile_overlayer_lowered;
	s6 =	simm.s32 $_tile_overlayer_lowered  }
0x9b: {  	s22 =	simm.s32 $0x1BFF;
	s21 =	sshll.u32 s6, $0x1;
	s3 =	sadd.s32 s4, s19  }
0x9c: {  	s7 =	simm.s32 $0x0;
	s20 =	sshll.u32 s5, $0x1;
	s5 =	sadd.s32 s21, s3  }
0x9d: {  	[timem:s7], [sflag:s22] =	dma.local [hbm:s5], s20  }
0x9e: {  	_ =	swait.ge [sflag:s22], s20  }
0x9f: {  	s4 =	ssub.s32 $0x0, s20;
	[sflag:s22] =	ssyncset.done $0x0  }
0xa0: {  	[sflag:s22] =	ssyncadd.s32 s4;
	_ =	sdelay $0x1  }
0xa1: {  	s23 =	simm.s32 $0x1B8B  }
0xa2: {  	_ =	swait.ge [sflag:s23], $0x1  }
0xa3: {  	[sflag:s23] =	ssyncset.done $0x0  }
0xa4: {  	s25 =	simm.s32 $0x1B8E;
	s24 =	sld [smem:$0x3FFE];
	[sflag:s23] =	ssyncadd.s32 $0xFFFFFFFF  }
0xa5: {  	s26 =	simm.s32 $execute0_lowered;
	[smem:$0x3FD2] =	sst s25  }
0xa6: {  	s5 =	sshll.u32 s26, $0x1;
	_ =	strace $0x80000046;
	[dreg:$0x1] =	wrdreg $0xFFFFFFFF  }
0xa7: {  	s28 =	simm.s32 $_size_execute0_lowered;
	s3 =	sadd.s32 s3, s5;
	[dreg:$0x0] =	wrdreg $0x0  }
0xa8: {  	s5 =	sshll.u32 s28, $0x1;
	[dreg:$0x2] =	wrdreg s3  }
0xa9: {  	[dreg:$0x3] =	wrdreg s5  }
0xaa: {  	[dreg:$0x4] =	wrdreg $0xC0  }
0xab: {  	_ =	task [dreg:s7], $0x5FFFF  }
0xac: {  	[dreg:$0x1] =	wrdreg $0xFFFFFFFF  }
0xad: {  	[dreg:$0x0] =	wrdreg $0x60  }
0xae: {  	[dreg:$0x2] =	wrdreg s2  }
0xaf: {  	[dreg:$0x3] =	wrdreg s24  }
0xb0: {  	[dreg:$0x4] =	wrdreg $0x9  }
0xb1: {  	_ =	task.clear_ibuf [dreg:s7], $0x5FFFF;
	_ =	strace $0x90000046  }
0xb2: {  	s29 =	simm.s32 $0x9;
	_ =	strace $0x80000048  }
0xb3: {  	_ =	swait.ge [sflag:s29], $0x1  }
0xb4: {  	[sflag:s29] =	ssyncadd.s32 $0xFFFFFFFF  }
0xb5: {  	_ =	strace $0x90000048  }
0xb6: {  	_ =	sfence  }
0xb7: {  	s30 =	sld [smem:$0x0];
	_ =	sdelay $0x2  }
0xb8: {  	s31 =	sshll.u32 s1, $0xD;
	s1 =	sshrl.u32 s1, $0x2  }
0xb9: {  	s3 =	sand.u32 $0x4000, s31;
	s1 =	sadd.s32 s1, s30  }
0xba: {  	s0 =	sor.u32 s3, s0;
	s1 =	sshll.u32 s1, $0x11  }
0xbb: {  	s0 =	sor.u32 s1, s0  }
0xbc: {  	s0 =	sadd.s32 $0x8F2B, s0  }
0xbd: {  	[sflag:s0] =	ssyncadd.remote.s32 $0x1  }
0xbe: {  	_ =	sfence.sel $0xFFFF  }
0xbf: {  	[dreg:$0x0] =	wrdreg $0xFFFFFFFF;
	(pc) =	sbr.abs _section_cstart, $3  }
0xc0: {  	[dreg:$0x1] =	wrdreg $0xFFFFFFFF  }
0xc1: {  	_ =	task.clear_ibuf [dreg:s7], $0x2FFFF;
	_ =	strace $0x9FFFFFFF  }
0xc2: {  	(tm) =	ssettm $0x7FFFFFFF  }
0xc3: {  	_ =	shalt  }
tec
execute0_lowered:
.L_overlay_start_1:
0x0: {  	(tag) =	ssettag $0x1  }
0x1: {  	s1 =	rddreg [dreg:$0x0]  }
0x2: {  	s8 =	rddreg [dreg:$0x1]  }
0x3: {  	s0 =	rddreg [dreg:$0x2]  }
0x4: {  	s3 =	simm.s32 $0x0;
	s4 =	srdreg.scid;
	s2 =	stileid.u32  }
0x5: {  	s12 =	simm.s32 $0x200;
	s13 =	simm.s32 $0x50;
	s14 =	simm.s32 $0x9  }
0x6: {  	s15 =	simm.s32 $0x7;
	s16 =	simm.s32 $0x8;
	s17 =	simm.s32 $0x0  }
0x7: {  	[smem:$0x7FF] =	sst s3;
	s5 =	sand.u32 $0x1, s4;
	s30 =	sshll.u32 s2, $0x1  }
.Ltmp0:
0x8: {  	s4 =	sadd.s32 $0x15E00, s8;
	s6 =	sor.u32 s5, s30;
	(pc) =	sbr.rel .LBB2_1-.Ltmp0, $4  }
0x9: {  	s7 =	sadd.s32 $0x2200, s8;
	s9 =	ssub.s32 $0x2, s5;
	s5 =	smul.u32 $0x2710, s6  }
0xa: {  	_ =	strace $0x80000047;
	s6 =	sadd.s32 $0xC000, s8;
	s10 =	sshrl.u32 s9, $0x1  }
0xb: {  	s8 =	sadd.s32 $0x286E00, s8;
	s11 =	ssub.s32 s9, s10;
	s31 =	sshrl.u32 s5, $0x3  }
0xc: {  	s11 =	smax.u32 s11, $0x1;
	s9 =	sadd.s32 s6, s31;
	s10 =	sadd.s32 s7, s31  }
.LBB2_10:
0xd: {  	_ =	swait.ge [sflag:s14], $0x2800  }
0xe: {  	[sflag:s14] =	ssyncset.done $0x0  }
0xf: {  	s17 =	sadd.s32 $0x1, s17;
	[sflag:s14] =	ssyncadd.s32 $0xFFFFD800  }
0x10: {  	p0 =	sne.s32 s17, s11;
	_ =	swait.ge [sflag:s15], $0x2800  }
.Ltmp1:
0x11: {  	[sflag:s15] =	ssyncset.done $0x0;
	(pc) =	sbr.rel @!p0 .LBB2_11-.Ltmp1, $4  }
0x12: {  	[sflag:s15] =	ssyncadd.s32 $0xFFFFD800  }
0x13: {  	_ =	swait.ge [sflag:s16], $0x2800  }
0x14: {  	[sflag:s16] =	ssyncset.done $0x0  }
0x15: {  	[sflag:s16] =	ssyncadd.s32 $0xFFFFD800  }
.LBB2_1:
.Ltmp2:
0x16: {  	(pc) =	sbr.rel .LBB2_2-.Ltmp2, $4  }
0x17: {  	_ = 	snop  }
0x18: {  	[tilespmem:s3], [sflag:$0x1] =	stream.linear.gather [hbm4b:s9+s3], $0x50, $0x38;
	[tilespmem:$0x7C00] =	vst v63  }
0x19: {  	s18 =	simm.s32 $0x0  }
0x1a: {  	[tilespmem:s12], [sflag:$0x1] =	stream.linear.gather [hbm4b:s10+s3], $0x50, $0x38;
	[tilespmem:$0x7C00] =	vst v63  }
.LBB2_5:
0x1b: {  	s19 =	simm.s32 $0x7D;
	s20 =	simm.s32 $0x7B  }
.LBB2_8:
0x1c: {  	s21 =	smul.u32 $0xAB, s20;
	_ =	sdelay $0x1  }
0x1d: {  	s21 =	sshrl.u32 s21, $0x9  }
0x1e: {  	s21 =	sand.u32 $0x7F, s21  }
0x1f: {  	s21 =	smul.u32 $0x3, s21;
	_ =	sdelay $0x1  }
0x20: {  	s30 =	ssub.s32 s20, s21  }
0x21: {  	s20 =	sand.u32 $0xFF, s30  }
0x22: {  	s31 =	smul.u32 $0xA000, s20;
	s22 =	sor.u32 $0x4, s20  }
0x23: {  	_ =	swait.ge [sflag:s22], $0x2800  }
0x24: {  	s20 =	sshll.u32 s20, $0x7;
	s21 =	sshrl.u32 s31, $0x2;
	[sflag:s22] =	ssyncset.done $0x0  }
0x25: {  	s20 =	sor.u32 $0x200, s20;
	s21 =	sor.u32 $0x400, s21;
	[sflag:s22] =	ssyncadd.s32 $0xFFFFD800  }
0x26: {  	[tilespmem:s21], [sflag:s22] =	stream.indirect.gather.add.f32 [hbm:s4], $0x80, s20, s13, $0xb8;
	[tilespmem:$0x7C00] =	vst v63  }
.LBB2_9:
0x27: {  	p0 =	slt.u32 s18, $0x2  }
0x28: {  	s18 =	sadd.s32 @!p0 $0xFFFFFFFE, s18  }
0x29: {  	s20 =	smul.u32 @!p0 $0xAB, s18;
	_ =	sdelay $0x1  }
0x2a: {  	s20 =	sshrl.u32 @!p0 s20, $0x9  }
0x2b: {  	s20 =	sand.u32 @!p0 $0x7F, s20  }
0x2c: {  	s20 =	smul.u32 @!p0 $0x3, s20;
	_ =	sdelay $0x1  }
0x2d: {  	s20 =	ssub.s32 @!p0 s18, s20  }
0x2e: {  	s20 =	sand.u32 @!p0 $0xFF, s20  }
0x2f: {  	s18 =	smul.u32 @!p0 $0x50, s18;
	s21 =	sor.u32 @!p0 $0x4, s20  }
0x30: {  	s22 =	smul.u32 @!p0 $0xA000, s20;
	_ =	swait.ge @!p0 [sflag:s21], $0x2800  }
0x31: {  	s18 =	sadd.s32 @!p0 s5, s18;
	s20 =	sadd.s32 @!p0 $0x7, s20;
	[sflag:s21] =	ssyncset.done @!p0 $0x0  }
0x32: {  	s18 =	sshll.u32 @!p0 s18, $0x4;
	[sflag:s21] =	ssyncadd.s32 @!p0 $0xFFFFD800;
	s21 =	sshrl.u32 @!p0 s22, $0x2  }
0x33: {  	s18 =	sadd.s32 @!p0 s8, s18;
	s22 =	simm.s32 @!p0 $0x0;
	s21 =	sor.u32 @!p0 $0x400, s21  }
0x34: {  	[hbm4b:s18+s22] =	stream.linear.scatter @!p0 [tilespmem:s21], [sflag:s20], $0x2800, $0x38;
	[tilespmem:$0x7C00] =	vst v63  }
0x35: {  	p0 =	slt.u32 s19, $0x7F  }
.Ltmp3:
0x36: {  	_ = 	snop;
	(pc) =	sbr.rel @!p0 .LBB2_10-.Ltmp3, $2  }
0x37: {  	_ =	sdelay $0x2  }
0x38: {  	s18 =	smov.u32 s19  }
.LBB2_2:
0x39: {  	p0 =	slt.u32 s18, $0x7D  }
.Ltmp4:
0x3a: {  	_ = 	snop;
	(pc) =	sbr.rel @!p0 .LBB2_3-.Ltmp4, $1  }
0x3b: {  	_ =	sdelay $0x3  }
0x3c: {  	s19 =	smul.u32 $0xAB, s18;
	_ =	sdelay $0x1  }
0x3d: {  	s19 =	sshrl.u32 s19, $0x9  }
0x3e: {  	s19 =	sand.u32 $0x7F, s19  }
0x3f: {  	s19 =	smul.u32 $0x3, s19;
	_ =	sdelay $0x1  }
0x40: {  	s19 =	ssub.s32 s18, s19  }
0x41: {  	p0 =	slt.u32 s18, $0x3;
	s19 =	sand.u32 $0xFF, s19  }
0x42: {  	s20 =	sadd.s32 @!p0 $0x7, s19  }
0x43: {  	_ =	swait.ge @!p0 [sflag:s20], $0x2800  }
0x44: {  	[sflag:s20] =	ssyncset.done @!p0 $0x0  }
0x45: {  	s29 =	sadd.s32 $0x1, s19;
	[sflag:s20] =	ssyncadd.s32 @!p0 $0xFFFFD800  }
0x46: {  	_ =	swait.ge [sflag:s29], $0x50  }
0x47: {  	s21 =	smul.u32 $0xA000, s19;
	p0 =	seq.s32 s18, $0x7C;
	[sflag:s29] =	ssyncset.done $0x0  }
.Ltmp5:
0x48: {  	[sflag:s29] =	ssyncadd.s32 $0xFFFFFFB0;
	(pc) =	sbr.rel @p0 .LBB2_5-.Ltmp5, $4  }
0x49: {  	_ =	swait.ge [sflag:s29], $0x50  }
0x4a: {  	s31 =	sshll.u32 s19, $0x7;
	s30 =	sshrl.u32 s21, $0x2;
	[sflag:s29] =	ssyncset.done $0x0  }
0x4b: {  	s19 =	sadd.s32 $0x4, s19;
	s20 =	sor.u32 $0x400, s30;
	[sflag:s29] =	ssyncadd.s32 $0xFFFFFFB0  }
0x4c: {  	[tilespmem:s20], [sflag:s19] =	stream.indirect.gather [hbm4b:s1+s13], $0x80, s31, s13, $0xb8;
	[tilespmem:$0x7C00] =	vst v63  }
0x4d: {  	s19 =	sadd.s32 $0x1, s18  }
0x4e: {  	s20 =	smul.u32 $0xAB, s19;
	_ =	sdelay $0x1  }
0x4f: {  	s20 =	sshrl.u32 s20, $0x9  }
0x50: {  	s21 =	smul.u32 $0x50, s19;
	s20 =	sand.u32 $0x7F, s20  }
0x51: {  	s20 =	smul.u32 $0x3, s20;
	_ =	sdelay $0x1  }
0x52: {  	s21 =	sadd.s32 s5, s21;
	s20 =	ssub.s32 s19, s20  }
.Ltmp6:
0x53: {  	s21 =	sshrl.u32 s21, $0x3;
	s20 =	sand.u32 $0xFF, s20;
	(pc) =	sbr.rel .LBB2_7-.Ltmp6, $4  }
0x54: {  	s23 =	sadd.s32 s6, s21;
	s22 =	sadd.s32 $0x1, s20;
	s20 =	sshll.u32 s20, $0x7  }
0x55: {  	[tilespmem:s20], [sflag:s22] =	stream.linear.gather [hbm4b:s23+s3], $0x50, $0x38;
	[tilespmem:$0x7C00] =	vst v63  }
0x56: {  	s21 =	sadd.s32 s7, s21;
	s20 =	sor.u32 $0x200, s20  }
0x57: {  	[tilespmem:s20], [sflag:s22] =	stream.linear.gather [hbm4b:s21+s3], $0x50, $0x38;
	[tilespmem:$0x7C00] =	vst v63  }
.LBB2_3:
0x58: {  	s19 =	sadd.s32 $0x1, s18  }
.LBB2_7:
0x59: {  	s20 =	sadd.s32 $0xFFFFFFFF, s18  }
0x5a: {  	p0 =	sgt.u32 s20, $0x7C  }
.Ltmp7:
0x5b: {  	_ = 	snop;
	(pc) =	sbr.rel @p0 .LBB2_9-.Ltmp7, $4  }
.Ltmp8:
0x5c: {  	_ = 	snop;
	(pc) =	sbr.rel @!p0 .LBB2_8-.Ltmp8, $4  }
0x5d: {  	_ = 	snop  }
0x5e: {  	_ = 	snop  }
0x5f: {  	_ = 	snop  }
0x60: {  	_ = 	snop  }
.LBB2_11:
0x61: {  	_ =	sfence.sel $0x180000  }
0x62: {  	[bflag:$0x0] =	sbarrier.arrive $0xFFFF  }
0x63: {  	p0 =	sne.s32 s2, $0x0;
	_ =	strace $0x90000047  }
0x64: {  	s0 =	sadd.s32 @!p0 $0x100000, s0;
	[bflag:$0x2] =	sbarrier.arrive $0xFFFF  }
0x65: {  	[sflag:s0] =	ssyncadd.tile.s32 @!p0 $0x1;
	_ =	shalt  }
.Lfunc_end2:
_tile_overlayer_lowered:
.L_overlay_start_2:
0x66: {  	(tag) =	ssettag $0x2  }
0x67: {  	s0 =	rddreg [dreg:$0x0];
	s2 =	stileid.u32  }
0x68: {  	s1 =	rddreg [dreg:$0x1];
	p0 =	sne.s32 s2, $0x0  }
0x69: {  	s3 =	rddreg [dreg:$0x2];
	[bflag:$0x3] =	sbarrier.arrive $0xFFFF;
	s2 =	simm.s32 @!p0 $0x1C0A  }
0x6a: {  	[timem:s3], [sflag:s2] =	dma.local @!p0 [hbm:s0], s1  }
0x6b: {  	s0 =	simm.s32 @!p0 $0xA  }
0x6c: {  	_ =	swait.ge @!p0 [sflag:s0], s1  }
0x6d: {  	s1 =	ssub.s32 @!p0 $0x0, s1;
	[sflag:s0] =	ssyncset.done @!p0 $0x0  }
0x6e: {  	[sflag:s0] =	ssyncadd.s32 @!p0 s1  }
0x6f: {  	[bflag:$0x3] =	sbarrier.arrive $0xFFFF  }
0x70: {  	_ =	shalt  }

</sc_bundles>
